<compile_context>
chip_gen: v7x
topology: tpu7x:2x2x1
jax: 0.10.2.dev20260603
libtpu: 0.0.44.dev20260713+nightly
codegen_flags: <defaults>
</compile_context>

<pallas_src>
import jax
import jax.numpy as jnp
from jax import lax
from jax.experimental import pallas as pl
from jax.experimental.pallas import tpu as pltpu
from jax.experimental.pallas import tpu_sc as plsc

_N = 10000
_E = 320000
_D = 128
_T = 4
_STEPS = 2

_NC = 2
_NS = 16
_NW = _NC * _NS
_EPT = _E // _NW
_CB = 80
_TCH = _EPT // _CB
_DPAD = 128
_NPAD = 10240
_RPS = _NPAD // _NS
_ZR = 64
_WBR = 128

_BN = 1024



def _sc_agg_body(y_hbm, gidx_hbm, dst2_hbm, zer_hbm, out_hbm,
                 gidx_v, dst_v, rows0_v, rows1_v,
                 acc_sh, sem0, sem1):
    c = lax.axis_index("c")
    s = lax.axis_index("s")
    wid = s * _NC + c
    nbase = s * _RPS

    pltpu.sync_copy(gidx_hbm.at[pl.ds(wid * _EPT, _EPT)], gidx_v)

    def fire(j, buf, sem_):
        pltpu.async_copy(y_hbm.at[gidx_v.at[pl.ds(j * _CB, _CB)]],
                         buf, sem_)

    def gwait(buf, sem_):
        pltpu.make_async_copy(y_hbm.at[gidx_v.at[pl.ds(0, _CB)]],
                              buf, sem_).wait()

    def scat(j, buf):
        pltpu.sync_copy(buf, acc_sh.at[dst_v.at[j]], add=True)

    fire(0, rows0_v, sem0)
    pltpu.sync_copy(dst2_hbm.at[pl.ds(wid * _DPAD, _DPAD)], dst_v)
    fire(1, rows1_v, sem1)
    pltpu.sync_copy(zer_hbm.at[pl.ds(nbase, _RPS)],
                    acc_sh.at[pl.ds(nbase, _RPS)])
    plsc.subcore_barrier()

    def pipe(i, _):
        j = 2 * i
        gwait(rows0_v, sem0)
        scat(j, rows0_v)
        fire(j + 2, rows0_v, sem0)
        gwait(rows1_v, sem1)
        scat(j + 1, rows1_v)
        fire(j + 3, rows1_v, sem1)
        return 0
    lax.fori_loop(0, (_TCH - 3) // 2, pipe, 0)
    gwait(rows0_v, sem0)
    scat(_TCH - 3, rows0_v)
    fire(_TCH - 1, rows0_v, sem0)
    gwait(rows1_v, sem1)
    scat(_TCH - 2, rows1_v)
    gwait(rows0_v, sem0)
    scat(_TCH - 1, rows0_v)
    plsc.subcore_barrier()

    def wb(k, _):
        ro = nbase + k * _WBR
        pltpu.sync_copy(acc_sh.at[pl.ds(ro, _WBR)],
                        out_hbm.at[pl.ds(c * _NPAD + ro, _WBR)])
        return 0
    lax.fori_loop(0, _RPS // _WBR, wb, 0)


_sc_agg = pl.kernel(
    _sc_agg_body,
    out_type=jax.ShapeDtypeStruct((_NC * _NPAD, _D), jnp.float32),
    mesh=plsc.VectorSubcoreMesh(core_axis_name="c", subcore_axis_name="s"),
    scratch_types=[
        pltpu.VMEM((_EPT,), jnp.int32),
        pltpu.VMEM((_DPAD, _CB), jnp.int32),
        pltpu.VMEM((_CB, _D), jnp.float32),
        pltpu.VMEM((_CB, _D), jnp.float32),
        pltpu.VMEM_SHARED((_NPAD, _D), jnp.float32),
        pltpu.SemaphoreType.DMA,
        pltpu.SemaphoreType.DMA,
    ],
)



def _gidx_body(s_ref, e_ref, o_ref):
    o_ref[...] = e_ref[...] * _NPAD + s_ref[...]


_tc_gidx = pl.pallas_call(
    _gidx_body,
    out_shape=jax.ShapeDtypeStruct((_E // 128, 128), jnp.int32),
)


def _y_body(x_ref, w_ref, b_ref, y_ref):
    xb = x_ref[...]
    for i in range(_T):
        y_ref[i] = (jnp.dot(xb, w_ref[i], preferred_element_type=jnp.float32)
                    + b_ref[i][None, :])


_tc_y = pl.pallas_call(
    _y_body,
    grid=(_NPAD // _BN,),
    in_specs=[
        pl.BlockSpec((_BN, _D), lambda j: (j, 0)),
        pl.BlockSpec((_T, _D, _D), lambda j: (0, 0, 0)),
        pl.BlockSpec((_T, _D), lambda j: (0, 0)),
    ],
    out_specs=pl.BlockSpec((_T, _BN, _D), lambda j: (0, j, 0)),
    out_shape=jax.ShapeDtypeStruct((_T, _NPAD, _D), jnp.float32),
)


def _gru_math(p_ref, f_ref, wih_ref, whh_ref, bih_ref, bhh_ref):
    a = p_ref[0] + p_ref[1]
    f = f_ref[...]
    gi = jnp.dot(a, wih_ref[...], preferred_element_type=jnp.float32) + bih_ref[...]
    gh = jnp.dot(f, whh_ref[...], preferred_element_type=jnp.float32) + bhh_ref[...]
    r = jax.nn.sigmoid(gi[:, :_D] + gh[:, :_D])
    z = jax.nn.sigmoid(gi[:, _D:2 * _D] + gh[:, _D:2 * _D])
    n = jnp.tanh(gi[:, 2 * _D:] + r * gh[:, 2 * _D:])
    return (1.0 - z) * n + z * f


def _gru_body(p_ref, f_ref, wih_ref, whh_ref, bih_ref, bhh_ref, o_ref):
    o_ref[...] = _gru_math(p_ref, f_ref, wih_ref, whh_ref, bih_ref, bhh_ref)


def _gru_y_body(p_ref, f_ref, wih_ref, whh_ref, bih_ref, bhh_ref, w_ref,
                b_ref, o_ref, y_ref):
    fn = _gru_math(p_ref, f_ref, wih_ref, whh_ref, bih_ref, bhh_ref)
    o_ref[...] = fn
    for i in range(_T):
        y_ref[i] = (jnp.dot(fn, w_ref[i], preferred_element_type=jnp.float32)
                    + b_ref[i][None, :])


_gru_in_specs = [
    pl.BlockSpec((_NC, _BN, _D), lambda j: (0, j, 0)),
    pl.BlockSpec((_BN, _D), lambda j: (j, 0)),
    pl.BlockSpec((_D, 3 * _D), lambda j: (0, 0)),
    pl.BlockSpec((_D, 3 * _D), lambda j: (0, 0)),
    pl.BlockSpec((1, 3 * _D), lambda j: (0, 0)),
    pl.BlockSpec((1, 3 * _D), lambda j: (0, 0)),
]

_tc_gru = pl.pallas_call(
    _gru_body,
    grid=(_NPAD // _BN,),
    in_specs=_gru_in_specs,
    out_specs=pl.BlockSpec((_BN, _D), lambda j: (j, 0)),
    out_shape=jax.ShapeDtypeStruct((_NPAD, _D), jnp.float32),
)

_tc_gru_y = pl.pallas_call(
    _gru_y_body,
    grid=(_NPAD // _BN,),
    in_specs=_gru_in_specs + [
        pl.BlockSpec((_T, _D, _D), lambda j: (0, 0, 0)),
        pl.BlockSpec((_T, _D), lambda j: (0, 0)),
    ],
    out_specs=[
        pl.BlockSpec((_BN, _D), lambda j: (j, 0)),
        pl.BlockSpec((_T, _BN, _D), lambda j: (0, j, 0)),
    ],
    out_shape=[
        jax.ShapeDtypeStruct((_NPAD, _D), jnp.float32),
        jax.ShapeDtypeStruct((_T, _NPAD, _D), jnp.float32),
    ],
)



@jax.jit
def kernel(x, edge_index, etypes, Ws, bs, W_ih, W_hh, b_ih, b_hh):
    src = edge_index[0]
    dst = edge_index[1]

    WsT = Ws.transpose(0, 2, 1)
    W_ihT = W_ih.T
    W_hhT = W_hh.T
    b_ih2 = b_ih.reshape(1, 3 * _D)
    b_hh2 = b_hh.reshape(1, 3 * _D)

    dst2 = jnp.pad(dst.reshape(_NW, _TCH, _CB),
                   ((0, 0), (0, _DPAD - _TCH), (0, 0))).reshape(
                       _NW * _DPAD, _CB)
    zer = jnp.zeros((_NPAD, _D), jnp.float32)
    gidx = _tc_gidx(src.reshape(_E // 128, 128),
                    etypes.reshape(_E // 128, 128)).reshape(_E)

    feat = jnp.pad(x, ((0, _NPAD - _N), (0, 0)))
    y = _tc_y(feat, WsT, bs)
    p = _sc_agg(y.reshape(_T * _NPAD, _D), gidx, dst2, zer).reshape(
        _NC, _NPAD, _D)
    feat, y = _tc_gru_y(p, feat, W_ihT, W_hhT, b_ih2, b_hh2, WsT, bs)
    p = _sc_agg(y.reshape(_T * _NPAD, _D), gidx, dst2, zer).reshape(
        _NC, _NPAD, _D)
    feat = _tc_gru(p, feat, W_ihT, W_hhT, b_ih2, b_hh2)
    return feat[:_N]

# --- scband reference (transcript-rebuilt; emitter-appended) ---
"""Pipeline reference for scband-gated-graph-conv-81157702025491 (READ-ONLY COPY).

The authoritative reference and input builder live on the scoring server;
editing this copy changes nothing except your own understanding.
"""

import jax, jax.numpy as jnp
import numpy as np

N_NODES = 10000
N_EDGES = 320000
D = 128
N_STEPS = 2
N_ETYPES = 4

def setup_inputs(seed: int = 0) -> dict:
    key = jax.random.key(seed)
    ks = jax.random.split(key, 10)
    x = jax.random.normal(ks[0], (N_NODES, D), dtype=jnp.float32)
    edge_index = jax.random.randint(ks[1], (2, N_EDGES), 0, N_NODES, dtype=jnp.int64 if jax.config.jax_enable_x64 else jnp.int32).astype(jnp.int32)
    etypes = jax.random.randint(ks[2], (N_EDGES,), 0, N_ETYPES).astype(jnp.int32)
    # per-edge-type linear weights (xavier-like scale) and biases (zeros, per reset_parameters)
    Ws = jax.random.normal(ks[3], (N_ETYPES, D, D), dtype=jnp.float32) * (np.sqrt(2.0) * np.sqrt(2.0 / (D + D)))
    bs = jnp.zeros((N_ETYPES, D), dtype=jnp.float32)
    # GRUCell params: W_ih [3*D, D], W_hh [3*D, D], biases [3*D]
    s = 1.0 / np.sqrt(D)
    W_ih = jax.random.uniform(ks[4], (3 * D, D), minval=-s, maxval=s, dtype=jnp.float32)
    W_hh = jax.random.uniform(ks[5], (3 * D, D), minval=-s, maxval=s, dtype=jnp.float32)
    b_ih = jax.random.uniform(ks[6], (3 * D,), minval=-s, maxval=s, dtype=jnp.float32)
    b_hh = jax.random.uniform(ks[7], (3 * D,), minval=-s, maxval=s, dtype=jnp.float32)
    return {"x": x, "edge_index": edge_index, "etypes": etypes, "Ws": Ws, "bs": bs,
            "W_ih": W_ih, "W_hh": W_hh, "b_ih": b_ih, "b_hh": b_hh}

def _gru_cell(a, h, W_ih, W_hh, b_ih, b_hh):
    gi = a @ W_ih.T + b_ih
    gh = h @ W_hh.T + b_hh
    i_r, i_z, i_n = jnp.split(gi, 3, axis=1)
    h_r, h_z, h_n = jnp.split(gh, 3, axis=1)
    r = jax.nn.sigmoid(i_r + h_r)
    z = jax.nn.sigmoid(i_z + h_z)
    n = jnp.tanh(i_n + r * h_n)
    return (1.0 - z) * n + z * h

def reference(x, edge_index, etypes, Ws, bs, W_ih, W_hh, b_ih, b_hh):
    N = x.shape[0]
    out_feats = Ws.shape[-1]
    src, dst = edge_index[0], edge_index[1]
    zero_pad = jnp.zeros((N, out_feats - x.shape[1]), dtype=x.dtype)
    feat = jnp.concatenate([x, zero_pad], axis=-1)
    for _ in range(N_STEPS):
        h_src = feat[src]  # gather [E, D]
        msg = jnp.zeros((h_src.shape[0], out_feats), dtype=feat.dtype)
        for i in range(N_ETYPES):
            m_i = h_src @ Ws[i].T + bs[i]
            msg = jnp.where((etypes == i)[:, None], m_i, msg)
        a = jnp.zeros((N, out_feats), dtype=feat.dtype).at[dst].add(msg)  # scatter-add
        feat = _gru_cell(a, feat, W_ih, W_hh, b_ih, b_hh)
    return feat

if __name__ == "__main__":
    import jax
    _d = setup_inputs()
    print(jax.jit(kernel)(*tuple(_d.values())))

</pallas_src>

<mosaic_0001>
#map = affine_map<(d0, d1) -> (0, 0)>
#map1 = affine_map<(d0, d1) -> (0)>
module attributes {stable_mosaic.version = 14 : i64} {
  func.func @_sc_agg_body(%arg0: i32, %arg1: i32, %arg2: memref<40960x128xf32, #tpu.memory_space<hbm>>, %arg3: memref<320000xi32, #tpu.memory_space<hbm>>, %arg4: memref<4096x80xi32, #tpu.memory_space<hbm>>, %arg5: memref<10240x128xf32, #tpu.memory_space<hbm>>, %arg6: memref<20480x128xf32, #tpu.memory_space<hbm>>, %arg7: memref<10000xi32, #tpu.memory_space<vmem>>, %arg8: memref<128x80xi32, #tpu.memory_space<vmem>>, %arg9: memref<80x128xf32, #tpu.memory_space<vmem>>, %arg10: memref<80x128xf32, #tpu.memory_space<vmem>>, %arg11: memref<10240x128xf32, #tpu.memory_space<vmem_shared>>, %arg12: memref<!tpu.dma_semaphore, #tpu.memory_space<semaphore_mem>>, %arg13: memref<!tpu.dma_semaphore, #tpu.memory_space<semaphore_mem>>) attributes {dimension_semantics = [#tpu.dimension_semantics<core_parallel>, #tpu.dimension_semantics<subcore_parallel>], iteration_bounds = array<i64: 2, 16>, scalar_prefetch = 0 : i64, scratch_operands = 7 : i64, tpu.core_type = #tpu.core_type<sc_vector_subcore>, window_params = [{transform_indices = #map}, {transform_indices = #map1}, {transform_indices = #map}, {transform_indices = #map}, {transform_indices = #map}]} {
    %mul3A = arith.constant 2 : i32
    %mul3A_0 = arith.muli %arg1, %mul3A : i32
    %add3A = arith.addi %mul3A_0, %arg0 : i32
    %mul3A_1 = arith.constant 640 : i32
    %mul3A_2 = arith.muli %arg1, %mul3A_1 : i32
    %mul3A_3 = arith.constant 10000 : i32
    %mul3A_4 = arith.muli %add3A, %mul3A_3 : i32
    "tpu.region"() ({
      %run_scoped3A_51 = tpu.sem_alloc : memref<!tpu.dma_semaphore, #tpu.memory_space<semaphore_mem>>
      %dma_start3A_52 = tpu.memref_slice %arg3[%mul3A_4] : memref<320000xi32, #tpu.memory_space<hbm>> -> memref<10000xi32, #tpu.memory_space<hbm>>
      %dma_start3A_53 = tpu.memref_slice %arg3[%mul3A_4] : memref<320000xi32, #tpu.memory_space<hbm>> -> memref<10000xi32, #tpu.memory_space<hbm>>
      tpu.enqueue_dma source(%dma_start3A_53 : memref<10000xi32, #tpu.memory_space<hbm>>) target(%arg7 : memref<10000xi32, #tpu.memory_space<vmem>>) target_semaphore(%run_scoped3A_51 : memref<!tpu.dma_semaphore, #tpu.memory_space<semaphore_mem>>)
      %dma_wait3A_54 = tpu.memref_slice %arg3[%mul3A_4] : memref<320000xi32, #tpu.memory_space<hbm>> -> memref<10000xi32, #tpu.memory_space<hbm>>
      %dma_wait3A_55 = tpu.memref_slice %arg3[%mul3A_4] : memref<320000xi32, #tpu.memory_space<hbm>> -> memref<10000xi32, #tpu.memory_space<hbm>>
      tpu.wait_dma2 semaphore(%run_scoped3A_51 : memref<!tpu.dma_semaphore, #tpu.memory_space<semaphore_mem>>) src(%dma_wait3A_55 : memref<10000xi32, #tpu.memory_space<hbm>>) dst(%arg7 : memref<10000xi32, #tpu.memory_space<vmem>>)
      tpu.yield
    }) : () -> ()
    %dma_start3A = arith.constant 0 : i32
    %dma_start3A_5 = tpu.memref_slice %arg7[%dma_start3A] : memref<10000xi32, #tpu.memory_space<vmem>> -> memref<80xi32, #tpu.memory_space<vmem>>
    %dma_start3A_6 = arith.constant 0 : i32
    %dma_start3A_7 = arith.constant 0 : i32
    %dma_start3A_8 = tpu.memref_slice %arg2[%dma_start3A_6, %dma_start3A_7] : memref<40960x128xf32, #tpu.memory_space<hbm>> -> memref<40960x128xf32, #tpu.memory_space<hbm>>
    tpu.enqueue_indirect_dma source(%dma_start3A_8 : memref<40960x128xf32, #tpu.memory_space<hbm>>) target(%arg9 : memref<80x128xf32, #tpu.memory_space<vmem>>) offsets(%dma_start3A_5 : memref<80xi32, #tpu.memory_space<vmem>>) semaphore(%arg12 : memref<!tpu.dma_semaphore, #tpu.memory_space<semaphore_mem>>)
    %mul3A_9 = arith.constant 128 : i32
    %mul3A_10 = arith.muli %add3A, %mul3A_9 : i32
    "tpu.region"() ({
      %run_scoped3A_51 = tpu.sem_alloc : memref<!tpu.dma_semaphore, #tpu.memory_space<semaphore_mem>>
      %dma_start3A_52 = arith.constant 0 : i32
      %dma_start3A_53 = tpu.memref_slice %arg4[%mul3A_10, %dma_start3A_52] : memref<4096x80xi32, #tpu.memory_space<hbm>> -> memref<128x80xi32, #tpu.memory_space<hbm>>
      %dma_start3A_54 = arith.constant 0 : i32
      %dma_start3A_55 = tpu.memref_slice %arg4[%mul3A_10, %dma_start3A_54] : memref<4096x80xi32, #tpu.memory_space<hbm>> -> memref<128x80xi32, #tpu.memory_space<hbm>>
      tpu.enqueue_dma source(%dma_start3A_55 : memref<128x80xi32, #tpu.memory_space<hbm>>) target(%arg8 : memref<128x80xi32, #tpu.memory_space<vmem>>) target_semaphore(%run_scoped3A_51 : memref<!tpu.dma_semaphore, #tpu.memory_space<semaphore_mem>>)
      %dma_wait3A_56 = arith.constant 0 : i32
      %dma_wait3A_57 = tpu.memref_slice %arg4[%mul3A_10, %dma_wait3A_56] : memref<4096x80xi32, #tpu.memory_space<hbm>> -> memref<128x80xi32, #tpu.memory_space<hbm>>
      %dma_wait3A_58 = arith.constant 0 : i32
      %dma_wait3A_59 = tpu.memref_slice %arg4[%mul3A_10, %dma_wait3A_58] : memref<4096x80xi32, #tpu.memory_space<hbm>> -> memref<128x80xi32, #tpu.memory_space<hbm>>
      tpu.wait_dma2 semaphore(%run_scoped3A_51 : memref<!tpu.dma_semaphore, #tpu.memory_space<semaphore_mem>>) src(%dma_wait3A_59 : memref<128x80xi32, #tpu.memory_space<hbm>>) dst(%arg8 : memref<128x80xi32, #tpu.memory_space<vmem>>)
      tpu.yield
    }) : () -> ()
    %dma_start3A_11 = arith.constant 80 : i32
    %dma_start3A_12 = tpu.memref_slice %arg7[%dma_start3A_11] : memref<10000xi32, #tpu.memory_space<vmem>> -> memref<80xi32, #tpu.memory_space<vmem>>
    %dma_start3A_13 = arith.constant 0 : i32
    %dma_start3A_14 = arith.constant 0 : i32
    %dma_start3A_15 = tpu.memref_slice %arg2[%dma_start3A_13, %dma_start3A_14] : memref<40960x128xf32, #tpu.memory_space<hbm>> -> memref<40960x128xf32, #tpu.memory_space<hbm>>
    tpu.enqueue_indirect_dma source(%dma_start3A_15 : memref<40960x128xf32, #tpu.memory_space<hbm>>) target(%arg10 : memref<80x128xf32, #tpu.memory_space<vmem>>) offsets(%dma_start3A_12 : memref<80xi32, #tpu.memory_space<vmem>>) semaphore(%arg13 : memref<!tpu.dma_semaphore, #tpu.memory_space<semaphore_mem>>)
    "tpu.region"() ({
      %run_scoped3A_51 = tpu.sem_alloc : memref<!tpu.dma_semaphore, #tpu.memory_space<semaphore_mem>>
      %dma_start3A_52 = arith.constant 0 : i32
      %dma_start3A_53 = tpu.memref_slice %arg11[%mul3A_2, %dma_start3A_52] : memref<10240x128xf32, #tpu.memory_space<vmem_shared>> -> memref<640x128xf32, #tpu.memory_space<vmem_shared>>
      %dma_start3A_54 = arith.constant 0 : i32
      %dma_start3A_55 = tpu.memref_slice %arg5[%mul3A_2, %dma_start3A_54] : memref<10240x128xf32, #tpu.memory_space<hbm>> -> memref<640x128xf32, #tpu.memory_space<hbm>>
      tpu.enqueue_dma source(%dma_start3A_55 : memref<640x128xf32, #tpu.memory_space<hbm>>) target(%dma_start3A_53 : memref<640x128xf32, #tpu.memory_space<vmem_shared>>) target_semaphore(%run_scoped3A_51 : memref<!tpu.dma_semaphore, #tpu.memory_space<semaphore_mem>>)
      %dma_wait3A_56 = arith.constant 0 : i32
      %dma_wait3A_57 = tpu.memref_slice %arg11[%mul3A_2, %dma_wait3A_56] : memref<10240x128xf32, #tpu.memory_space<vmem_shared>> -> memref<640x128xf32, #tpu.memory_space<vmem_shared>>
      %dma_wait3A_58 = arith.constant 0 : i32
      %dma_wait3A_59 = tpu.memref_slice %arg5[%mul3A_2, %dma_wait3A_58] : memref<10240x128xf32, #tpu.memory_space<hbm>> -> memref<640x128xf32, #tpu.memory_space<hbm>>
      tpu.wait_dma2 semaphore(%run_scoped3A_51 : memref<!tpu.dma_semaphore, #tpu.memory_space<semaphore_mem>>) src(%dma_wait3A_59 : memref<640x128xf32, #tpu.memory_space<hbm>>) dst(%dma_wait3A_57 : memref<640x128xf32, #tpu.memory_space<vmem_shared>>)
      tpu.yield
    }) : () -> ()
    %barrier3A = arith.constant 0 : index
    tpu.barrier barrier_id(%barrier3A)
    %scan3A = arith.constant 0 : i32
    %scan3A_16 = arith.constant 0 : i32
    %scan3A_17 = arith.constant 61 : i32
    %scan3A_18 = arith.addi %scan3A_16, %scan3A_17 : i32
    %scan3A_19 = arith.constant 1 : i32
    %scan3A_20 = scf.for %scan3A_51 = %scan3A_16 to %scan3A_18 step %scan3A_19 iter_args(%scan3A_52 = %scan3A) -> (i32)  : i32 {
      %mul3A_53 = arith.constant 2 : i32
      %mul3A_54 = arith.muli %mul3A_53, %scan3A_51 : i32
      %dma_wait3A_55 = arith.constant 0 : i32
      %dma_wait3A_56 = tpu.memref_slice %arg7[%dma_wait3A_55] : memref<10000xi32, #tpu.memory_space<vmem>> -> memref<80xi32, #tpu.memory_space<vmem>>
      %dma_wait3A_57 = arith.constant 0 : i32
      %dma_wait3A_58 = arith.constant 0 : i32
      %dma_wait3A_59 = tpu.memref_slice %arg2[%dma_wait3A_57, %dma_wait3A_58] : memref<40960x128xf32, #tpu.memory_space<hbm>> -> memref<40960x128xf32, #tpu.memory_space<hbm>>
      tpu.wait_indirect_dma semaphore(%arg12 : memref<!tpu.dma_semaphore, #tpu.memory_space<semaphore_mem>>) src(%dma_wait3A_59 : memref<40960x128xf32, #tpu.memory_space<hbm>>) dst(%arg9 : memref<80x128xf32, #tpu.memory_space<vmem>>)
      "tpu.region"() ({
        %run_scoped3A_84 = tpu.sem_alloc : memref<!tpu.dma_semaphore, #tpu.memory_space<semaphore_mem>>
        %dma_start3A_85 = arith.constant 0 : i32
        %dma_start3A_86 = tpu.memref_slice %arg8[%mul3A_54, %dma_start3A_85] : memref<128x80xi32, #tpu.memory_space<vmem>> -> memref<1x80xi32, #tpu.memory_space<vmem>>
        %dma_start3A_87 = tpu.memref_squeeze %dma_start3A_86 : memref<1x80xi32, #tpu.memory_space<vmem>> -> memref<80xi32, #tpu.memory_space<vmem>>
        %dma_start3A_88 = arith.constant 0 : i32
        %dma_start3A_89 = arith.constant 0 : i32
        %dma_start3A_90 = tpu.memref_slice %arg11[%dma_start3A_88, %dma_start3A_89] : memref<10240x128xf32, #tpu.memory_space<vmem_shared>> -> memref<10240x128xf32, #tpu.memory_space<vmem_shared>>
        tpu.enqueue_indirect_dma source(%arg9 : memref<80x128xf32, #tpu.memory_space<vmem>>) target(%dma_start3A_90 : memref<10240x128xf32, #tpu.memory_space<vmem_shared>>) offsets(%dma_start3A_87 : memref<80xi32, #tpu.memory_space<vmem>>) semaphore(%run_scoped3A_84 : memref<!tpu.dma_semaphore, #tpu.memory_space<semaphore_mem>>) {add = true}
        %dma_wait3A_91 = arith.constant 0 : i32
        %dma_wait3A_92 = tpu.memref_slice %arg8[%mul3A_54, %dma_wait3A_91] : memref<128x80xi32, #tpu.memory_space<vmem>> -> memref<1x80xi32, #tpu.memory_space<vmem>>
        %dma_wait3A_93 = tpu.memref_squeeze %dma_wait3A_92 : memref<1x80xi32, #tpu.memory_space<vmem>> -> memref<80xi32, #tpu.memory_space<vmem>>
        %dma_wait3A_94 = arith.constant 0 : i32
        %dma_wait3A_95 = arith.constant 0 : i32
        %dma_wait3A_96 = tpu.memref_slice %arg11[%dma_wait3A_94, %dma_wait3A_95] : memref<10240x128xf32, #tpu.memory_space<vmem_shared>> -> memref<10240x128xf32, #tpu.memory_space<vmem_shared>>
        tpu.wait_indirect_dma semaphore(%run_scoped3A_84 : memref<!tpu.dma_semaphore, #tpu.memory_space<semaphore_mem>>) src(%arg9 : memref<80x128xf32, #tpu.memory_space<vmem>>) dst(%dma_wait3A_96 : memref<10240x128xf32, #tpu.memory_space<vmem_shared>>)
        tpu.yield
      }) : () -> ()
      %add3A_60 = arith.constant 2 : i32
      %add3A_61 = arith.addi %mul3A_54, %add3A_60 : i32
      %mul3A_62 = arith.constant 80 : i32
      %mul3A_63 = arith.muli %add3A_61, %mul3A_62 : i32
      %dma_start3A_64 = tpu.memref_slice %arg7[%mul3A_63] : memref<10000xi32, #tpu.memory_space<vmem>> -> memref<80xi32, #tpu.memory_space<vmem>>
      %dma_start3A_65 = arith.constant 0 : i32
      %dma_start3A_66 = arith.constant 0 : i32
      %dma_start3A_67 = tpu.memref_slice %arg2[%dma_start3A_65, %dma_start3A_66] : memref<40960x128xf32, #tpu.memory_space<hbm>> -> memref<40960x128xf32, #tpu.memory_space<hbm>>
      tpu.enqueue_indirect_dma source(%dma_start3A_67 : memref<40960x128xf32, #tpu.memory_space<hbm>>) target(%arg9 : memref<80x128xf32, #tpu.memory_space<vmem>>) offsets(%dma_start3A_64 : memref<80xi32, #tpu.memory_space<vmem>>) semaphore(%arg12 : memref<!tpu.dma_semaphore, #tpu.memory_space<semaphore_mem>>)
      %dma_wait3A_68 = arith.constant 0 : i32
      %dma_wait3A_69 = tpu.memref_slice %arg7[%dma_wait3A_68] : memref<10000xi32, #tpu.memory_space<vmem>> -> memref<80xi32, #tpu.memory_space<vmem>>
      %dma_wait3A_70 = arith.constant 0 : i32
      %dma_wait3A_71 = arith.constant 0 : i32
      %dma_wait3A_72 = tpu.memref_slice %arg2[%dma_wait3A_70, %dma_wait3A_71] : memref<40960x128xf32, #tpu.memory_space<hbm>> -> memref<40960x128xf32, #tpu.memory_space<hbm>>
      tpu.wait_indirect_dma semaphore(%arg13 : memref<!tpu.dma_semaphore, #tpu.memory_space<semaphore_mem>>) src(%dma_wait3A_72 : memref<40960x128xf32, #tpu.memory_space<hbm>>) dst(%arg10 : memref<80x128xf32, #tpu.memory_space<vmem>>)
      %add3A_73 = arith.constant 1 : i32
      %add3A_74 = arith.addi %mul3A_54, %add3A_73 : i32
      "tpu.region"() ({
        %run_scoped3A_84 = tpu.sem_alloc : memref<!tpu.dma_semaphore, #tpu.memory_space<semaphore_mem>>
        %dma_start3A_85 = arith.constant 0 : i32
        %dma_start3A_86 = tpu.memref_slice %arg8[%add3A_74, %dma_start3A_85] : memref<128x80xi32, #tpu.memory_space<vmem>> -> memref<1x80xi32, #tpu.memory_space<vmem>>
        %dma_start3A_87 = tpu.memref_squeeze %dma_start3A_86 : memref<1x80xi32, #tpu.memory_space<vmem>> -> memref<80xi32, #tpu.memory_space<vmem>>
        %dma_start3A_88 = arith.constant 0 : i32
        %dma_start3A_89 = arith.constant 0 : i32
        %dma_start3A_90 = tpu.memref_slice %arg11[%dma_start3A_88, %dma_start3A_89] : memref<10240x128xf32, #tpu.memory_space<vmem_shared>> -> memref<10240x128xf32, #tpu.memory_space<vmem_shared>>
        tpu.enqueue_indirect_dma source(%arg10 : memref<80x128xf32, #tpu.memory_space<vmem>>) target(%dma_start3A_90 : memref<10240x128xf32, #tpu.memory_space<vmem_shared>>) offsets(%dma_start3A_87 : memref<80xi32, #tpu.memory_space<vmem>>) semaphore(%run_scoped3A_84 : memref<!tpu.dma_semaphore, #tpu.memory_space<semaphore_mem>>) {add = true}
        %dma_wait3A_91 = arith.constant 0 : i32
        %dma_wait3A_92 = tpu.memref_slice %arg8[%add3A_74, %dma_wait3A_91] : memref<128x80xi32, #tpu.memory_space<vmem>> -> memref<1x80xi32, #tpu.memory_space<vmem>>
        %dma_wait3A_93 = tpu.memref_squeeze %dma_wait3A_92 : memref<1x80xi32, #tpu.memory_space<vmem>> -> memref<80xi32, #tpu.memory_space<vmem>>
        %dma_wait3A_94 = arith.constant 0 : i32
        %dma_wait3A_95 = arith.constant 0 : i32
        %dma_wait3A_96 = tpu.memref_slice %arg11[%dma_wait3A_94, %dma_wait3A_95] : memref<10240x128xf32, #tpu.memory_space<vmem_shared>> -> memref<10240x128xf32, #tpu.memory_space<vmem_shared>>
        tpu.wait_indirect_dma semaphore(%run_scoped3A_84 : memref<!tpu.dma_semaphore, #tpu.memory_space<semaphore_mem>>) src(%arg10 : memref<80x128xf32, #tpu.memory_space<vmem>>) dst(%dma_wait3A_96 : memref<10240x128xf32, #tpu.memory_space<vmem_shared>>)
        tpu.yield
      }) : () -> ()
      %add3A_75 = arith.constant 3 : i32
      %add3A_76 = arith.addi %mul3A_54, %add3A_75 : i32
      %mul3A_77 = arith.constant 80 : i32
      %mul3A_78 = arith.muli %add3A_76, %mul3A_77 : i32
      %dma_start3A_79 = tpu.memref_slice %arg7[%mul3A_78] : memref<10000xi32, #tpu.memory_space<vmem>> -> memref<80xi32, #tpu.memory_space<vmem>>
      %dma_start3A_80 = arith.constant 0 : i32
      %dma_start3A_81 = arith.constant 0 : i32
      %dma_start3A_82 = tpu.memref_slice %arg2[%dma_start3A_80, %dma_start3A_81] : memref<40960x128xf32, #tpu.memory_space<hbm>> -> memref<40960x128xf32, #tpu.memory_space<hbm>>
      tpu.enqueue_indirect_dma source(%dma_start3A_82 : memref<40960x128xf32, #tpu.memory_space<hbm>>) target(%arg10 : memref<80x128xf32, #tpu.memory_space<vmem>>) offsets(%dma_start3A_79 : memref<80xi32, #tpu.memory_space<vmem>>) semaphore(%arg13 : memref<!tpu.dma_semaphore, #tpu.memory_space<semaphore_mem>>)
      %scan3A_83 = arith.constant 0 : i32
      scf.yield %scan3A_83 : i32
    }
    %scan3A_21 = arith.constant 61 : i32
    %dma_wait3A = arith.constant 0 : i32
    %dma_wait3A_22 = tpu.memref_slice %arg7[%dma_wait3A] : memref<10000xi32, #tpu.memory_space<vmem>> -> memref<80xi32, #tpu.memory_space<vmem>>
    %dma_wait3A_23 = arith.constant 0 : i32
    %dma_wait3A_24 = arith.constant 0 : i32
    %dma_wait3A_25 = tpu.memref_slice %arg2[%dma_wait3A_23, %dma_wait3A_24] : memref<40960x128xf32, #tpu.memory_space<hbm>> -> memref<40960x128xf32, #tpu.memory_space<hbm>>
    tpu.wait_indirect_dma semaphore(%arg12 : memref<!tpu.dma_semaphore, #tpu.memory_space<semaphore_mem>>) src(%dma_wait3A_25 : memref<40960x128xf32, #tpu.memory_space<hbm>>) dst(%arg9 : memref<80x128xf32, #tpu.memory_space<vmem>>)
    %run_scoped3A = arith.constant 122 : i32
    "tpu.region"() ({
      %run_scoped3A_51 = tpu.sem_alloc : memref<!tpu.dma_semaphore, #tpu.memory_space<semaphore_mem>>
      %dma_start3A_52 = arith.constant 0 : i32
      %dma_start3A_53 = tpu.memref_slice %arg8[%run_scoped3A, %dma_start3A_52] : memref<128x80xi32, #tpu.memory_space<vmem>> -> memref<1x80xi32, #tpu.memory_space<vmem>>
      %dma_start3A_54 = tpu.memref_squeeze %dma_start3A_53 : memref<1x80xi32, #tpu.memory_space<vmem>> -> memref<80xi32, #tpu.memory_space<vmem>>
      %dma_start3A_55 = arith.constant 0 : i32
      %dma_start3A_56 = arith.constant 0 : i32
      %dma_start3A_57 = tpu.memref_slice %arg11[%dma_start3A_55, %dma_start3A_56] : memref<10240x128xf32, #tpu.memory_space<vmem_shared>> -> memref<10240x128xf32, #tpu.memory_space<vmem_shared>>
      tpu.enqueue_indirect_dma source(%arg9 : memref<80x128xf32, #tpu.memory_space<vmem>>) target(%dma_start3A_57 : memref<10240x128xf32, #tpu.memory_space<vmem_shared>>) offsets(%dma_start3A_54 : memref<80xi32, #tpu.memory_space<vmem>>) semaphore(%run_scoped3A_51 : memref<!tpu.dma_semaphore, #tpu.memory_space<semaphore_mem>>) {add = true}
      %dma_wait3A_58 = arith.constant 0 : i32
      %dma_wait3A_59 = tpu.memref_slice %arg8[%run_scoped3A, %dma_wait3A_58] : memref<128x80xi32, #tpu.memory_space<vmem>> -> memref<1x80xi32, #tpu.memory_space<vmem>>
      %dma_wait3A_60 = tpu.memref_squeeze %dma_wait3A_59 : memref<1x80xi32, #tpu.memory_space<vmem>> -> memref<80xi32, #tpu.memory_space<vmem>>
      %dma_wait3A_61 = arith.constant 0 : i32
      %dma_wait3A_62 = arith.constant 0 : i32
      %dma_wait3A_63 = tpu.memref_slice %arg11[%dma_wait3A_61, %dma_wait3A_62] : memref<10240x128xf32, #tpu.memory_space<vmem_shared>> -> memref<10240x128xf32, #tpu.memory_space<vmem_shared>>
      tpu.wait_indirect_dma semaphore(%run_scoped3A_51 : memref<!tpu.dma_semaphore, #tpu.memory_space<semaphore_mem>>) src(%arg9 : memref<80x128xf32, #tpu.memory_space<vmem>>) dst(%dma_wait3A_63 : memref<10240x128xf32, #tpu.memory_space<vmem_shared>>)
      tpu.yield
    }) : () -> ()
    %dma_start3A_26 = arith.constant 9920 : i32
    %dma_start3A_27 = tpu.memref_slice %arg7[%dma_start3A_26] : memref<10000xi32, #tpu.memory_space<vmem>> -> memref<80xi32, #tpu.memory_space<vmem>>
    %dma_start3A_28 = arith.constant 0 : i32
    %dma_start3A_29 = arith.constant 0 : i32
    %dma_start3A_30 = tpu.memref_slice %arg2[%dma_start3A_28, %dma_start3A_29] : memref<40960x128xf32, #tpu.memory_space<hbm>> -> memref<40960x128xf32, #tpu.memory_space<hbm>>
    tpu.enqueue_indirect_dma source(%dma_start3A_30 : memref<40960x128xf32, #tpu.memory_space<hbm>>) target(%arg9 : memref<80x128xf32, #tpu.memory_space<vmem>>) offsets(%dma_start3A_27 : memref<80xi32, #tpu.memory_space<vmem>>) semaphore(%arg12 : memref<!tpu.dma_semaphore, #tpu.memory_space<semaphore_mem>>)
    %dma_wait3A_31 = arith.constant 0 : i32
    %dma_wait3A_32 = tpu.memref_slice %arg7[%dma_wait3A_31] : memref<10000xi32, #tpu.memory_space<vmem>> -> memref<80xi32, #tpu.memory_space<vmem>>
    %dma_wait3A_33 = arith.constant 0 : i32
    %dma_wait3A_34 = arith.constant 0 : i32
    %dma_wait3A_35 = tpu.memref_slice %arg2[%dma_wait3A_33, %dma_wait3A_34] : memref<40960x128xf32, #tpu.memory_space<hbm>> -> memref<40960x128xf32, #tpu.memory_space<hbm>>
    tpu.wait_indirect_dma semaphore(%arg13 : memref<!tpu.dma_semaphore, #tpu.memory_space<semaphore_mem>>) src(%dma_wait3A_35 : memref<40960x128xf32, #tpu.memory_space<hbm>>) dst(%arg10 : memref<80x128xf32, #tpu.memory_space<vmem>>)
    %run_scoped3A_36 = arith.constant 123 : i32
    "tpu.region"() ({
      %run_scoped3A_51 = tpu.sem_alloc : memref<!tpu.dma_semaphore, #tpu.memory_space<semaphore_mem>>
      %dma_start3A_52 = arith.constant 0 : i32
      %dma_start3A_53 = tpu.memref_slice %arg8[%run_scoped3A_36, %dma_start3A_52] : memref<128x80xi32, #tpu.memory_space<vmem>> -> memref<1x80xi32, #tpu.memory_space<vmem>>
      %dma_start3A_54 = tpu.memref_squeeze %dma_start3A_53 : memref<1x80xi32, #tpu.memory_space<vmem>> -> memref<80xi32, #tpu.memory_space<vmem>>
      %dma_start3A_55 = arith.constant 0 : i32
      %dma_start3A_56 = arith.constant 0 : i32
      %dma_start3A_57 = tpu.memref_slice %arg11[%dma_start3A_55, %dma_start3A_56] : memref<10240x128xf32, #tpu.memory_space<vmem_shared>> -> memref<10240x128xf32, #tpu.memory_space<vmem_shared>>
      tpu.enqueue_indirect_dma source(%arg10 : memref<80x128xf32, #tpu.memory_space<vmem>>) target(%dma_start3A_57 : memref<10240x128xf32, #tpu.memory_space<vmem_shared>>) offsets(%dma_start3A_54 : memref<80xi32, #tpu.memory_space<vmem>>) semaphore(%run_scoped3A_51 : memref<!tpu.dma_semaphore, #tpu.memory_space<semaphore_mem>>) {add = true}
      %dma_wait3A_58 = arith.constant 0 : i32
      %dma_wait3A_59 = tpu.memref_slice %arg8[%run_scoped3A_36, %dma_wait3A_58] : memref<128x80xi32, #tpu.memory_space<vmem>> -> memref<1x80xi32, #tpu.memory_space<vmem>>
      %dma_wait3A_60 = tpu.memref_squeeze %dma_wait3A_59 : memref<1x80xi32, #tpu.memory_space<vmem>> -> memref<80xi32, #tpu.memory_space<vmem>>
      %dma_wait3A_61 = arith.constant 0 : i32
      %dma_wait3A_62 = arith.constant 0 : i32
      %dma_wait3A_63 = tpu.memref_slice %arg11[%dma_wait3A_61, %dma_wait3A_62] : memref<10240x128xf32, #tpu.memory_space<vmem_shared>> -> memref<10240x128xf32, #tpu.memory_space<vmem_shared>>
      tpu.wait_indirect_dma semaphore(%run_scoped3A_51 : memref<!tpu.dma_semaphore, #tpu.memory_space<semaphore_mem>>) src(%arg10 : memref<80x128xf32, #tpu.memory_space<vmem>>) dst(%dma_wait3A_63 : memref<10240x128xf32, #tpu.memory_space<vmem_shared>>)
      tpu.yield
    }) : () -> ()
    %dma_wait3A_37 = arith.constant 0 : i32
    %dma_wait3A_38 = tpu.memref_slice %arg7[%dma_wait3A_37] : memref<10000xi32, #tpu.memory_space<vmem>> -> memref<80xi32, #tpu.memory_space<vmem>>
    %dma_wait3A_39 = arith.constant 0 : i32
    %dma_wait3A_40 = arith.constant 0 : i32
    %dma_wait3A_41 = tpu.memref_slice %arg2[%dma_wait3A_39, %dma_wait3A_40] : memref<40960x128xf32, #tpu.memory_space<hbm>> -> memref<40960x128xf32, #tpu.memory_space<hbm>>
    tpu.wait_indirect_dma semaphore(%arg12 : memref<!tpu.dma_semaphore, #tpu.memory_space<semaphore_mem>>) src(%dma_wait3A_41 : memref<40960x128xf32, #tpu.memory_space<hbm>>) dst(%arg9 : memref<80x128xf32, #tpu.memory_space<vmem>>)
    %run_scoped3A_42 = arith.constant 124 : i32
    "tpu.region"() ({
      %run_scoped3A_51 = tpu.sem_alloc : memref<!tpu.dma_semaphore, #tpu.memory_space<semaphore_mem>>
      %dma_start3A_52 = arith.constant 0 : i32
      %dma_start3A_53 = tpu.memref_slice %arg8[%run_scoped3A_42, %dma_start3A_52] : memref<128x80xi32, #tpu.memory_space<vmem>> -> memref<1x80xi32, #tpu.memory_space<vmem>>
      %dma_start3A_54 = tpu.memref_squeeze %dma_start3A_53 : memref<1x80xi32, #tpu.memory_space<vmem>> -> memref<80xi32, #tpu.memory_space<vmem>>
      %dma_start3A_55 = arith.constant 0 : i32
      %dma_start3A_56 = arith.constant 0 : i32
      %dma_start3A_57 = tpu.memref_slice %arg11[%dma_start3A_55, %dma_start3A_56] : memref<10240x128xf32, #tpu.memory_space<vmem_shared>> -> memref<10240x128xf32, #tpu.memory_space<vmem_shared>>
      tpu.enqueue_indirect_dma source(%arg9 : memref<80x128xf32, #tpu.memory_space<vmem>>) target(%dma_start3A_57 : memref<10240x128xf32, #tpu.memory_space<vmem_shared>>) offsets(%dma_start3A_54 : memref<80xi32, #tpu.memory_space<vmem>>) semaphore(%run_scoped3A_51 : memref<!tpu.dma_semaphore, #tpu.memory_space<semaphore_mem>>) {add = true}
      %dma_wait3A_58 = arith.constant 0 : i32
      %dma_wait3A_59 = tpu.memref_slice %arg8[%run_scoped3A_42, %dma_wait3A_58] : memref<128x80xi32, #tpu.memory_space<vmem>> -> memref<1x80xi32, #tpu.memory_space<vmem>>
      %dma_wait3A_60 = tpu.memref_squeeze %dma_wait3A_59 : memref<1x80xi32, #tpu.memory_space<vmem>> -> memref<80xi32, #tpu.memory_space<vmem>>
      %dma_wait3A_61 = arith.constant 0 : i32
      %dma_wait3A_62 = arith.constant 0 : i32
      %dma_wait3A_63 = tpu.memref_slice %arg11[%dma_wait3A_61, %dma_wait3A_62] : memref<10240x128xf32, #tpu.memory_space<vmem_shared>> -> memref<10240x128xf32, #tpu.memory_space<vmem_shared>>
      tpu.wait_indirect_dma semaphore(%run_scoped3A_51 : memref<!tpu.dma_semaphore, #tpu.memory_space<semaphore_mem>>) src(%arg9 : memref<80x128xf32, #tpu.memory_space<vmem>>) dst(%dma_wait3A_63 : memref<10240x128xf32, #tpu.memory_space<vmem_shared>>)
      tpu.yield
    }) : () -> ()
    %barrier3A_43 = arith.constant 0 : index
    tpu.barrier barrier_id(%barrier3A_43)
    %scan3A_44 = arith.constant 0 : i32
    %scan3A_45 = arith.constant 0 : i32
    %scan3A_46 = arith.constant 5 : i32
    %scan3A_47 = arith.addi %scan3A_45, %scan3A_46 : i32
    %scan3A_48 = arith.constant 1 : i32
    %scan3A_49 = scf.for %scan3A_51 = %scan3A_45 to %scan3A_47 step %scan3A_48 iter_args(%scan3A_52 = %scan3A_44) -> (i32)  : i32 {
      %mul3A_53 = arith.constant 128 : i32
      %mul3A_54 = arith.muli %scan3A_51, %mul3A_53 : i32
      %add3A_55 = arith.addi %mul3A_2, %mul3A_54 : i32
      %mul3A_56 = arith.constant 10240 : i32
      %mul3A_57 = arith.muli %arg0, %mul3A_56 : i32
      %add3A_58 = arith.addi %mul3A_57, %add3A_55 : i32
      "tpu.region"() ({
        %run_scoped3A_60 = tpu.sem_alloc : memref<!tpu.dma_semaphore, #tpu.memory_space<semaphore_mem>>
        %dma_start3A_61 = arith.constant 0 : i32
        %dma_start3A_62 = tpu.memref_slice %arg6[%add3A_58, %dma_start3A_61] : memref<20480x128xf32, #tpu.memory_space<hbm>> -> memref<128x128xf32, #tpu.memory_space<hbm>>
        %dma_start3A_63 = arith.constant 0 : i32
        %dma_start3A_64 = tpu.memref_slice %arg11[%add3A_55, %dma_start3A_63] : memref<10240x128xf32, #tpu.memory_space<vmem_shared>> -> memref<128x128xf32, #tpu.memory_space<vmem_shared>>
        tpu.enqueue_dma source(%dma_start3A_64 : memref<128x128xf32, #tpu.memory_space<vmem_shared>>) target(%dma_start3A_62 : memref<128x128xf32, #tpu.memory_space<hbm>>) target_semaphore(%run_scoped3A_60 : memref<!tpu.dma_semaphore, #tpu.memory_space<semaphore_mem>>)
        %dma_wait3A_65 = arith.constant 0 : i32
        %dma_wait3A_66 = tpu.memref_slice %arg6[%add3A_58, %dma_wait3A_65] : memref<20480x128xf32, #tpu.memory_space<hbm>> -> memref<128x128xf32, #tpu.memory_space<hbm>>
        %dma_wait3A_67 = arith.constant 0 : i32
        %dma_wait3A_68 = tpu.memref_slice %arg11[%add3A_55, %dma_wait3A_67] : memref<10240x128xf32, #tpu.memory_space<vmem_shared>> -> memref<128x128xf32, #tpu.memory_space<vmem_shared>>
        tpu.wait_dma2 semaphore(%run_scoped3A_60 : memref<!tpu.dma_semaphore, #tpu.memory_space<semaphore_mem>>) src(%dma_wait3A_68 : memref<128x128xf32, #tpu.memory_space<vmem_shared>>) dst(%dma_wait3A_66 : memref<128x128xf32, #tpu.memory_space<hbm>>)
        tpu.yield
      }) : () -> ()
      %scan3A_59 = arith.constant 0 : i32
      scf.yield %scan3A_59 : i32
    }
    %scan3A_50 = arith.constant 5 : i32
    return
  }
}

#map = affine_map<(d0, d1) -> (0, 0)>
#map1 = affine_map<(d0, d1) -> (0)>
module attributes {stable_mosaic.version = 14 : i64} {
  func.func @_sc_agg_body(%arg0: i32, %arg1: i32, %arg2: memref<40960x128xf32, #tpu.memory_space<hbm>>, %arg3: memref<320000xi32, #tpu.memory_space<hbm>>, %arg4: memref<4096x80xi32, #tpu.memory_space<hbm>>, %arg5: memref<10240x128xf32, #tpu.memory_space<hbm>>, %arg6: memref<20480x128xf32, #tpu.memory_space<hbm>>, %arg7: memref<10000xi32, #tpu.memory_space<vmem>>, %arg8: memref<128x80xi32, #tpu.memory_space<vmem>>, %arg9: memref<80x128xf32, #tpu.memory_space<vmem>>, %arg10: memref<80x128xf32, #tpu.memory_space<vmem>>, %arg11: memref<10240x128xf32, #tpu.memory_space<vmem_shared>>, %arg12: memref<!tpu.dma_semaphore, #tpu.memory_space<semaphore_mem>>, %arg13: memref<!tpu.dma_semaphore, #tpu.memory_space<semaphore_mem>>) attributes {dimension_semantics = [#tpu.dimension_semantics<core_parallel>, #tpu.dimension_semantics<subcore_parallel>], iteration_bounds = array<i64: 2, 16>, scalar_prefetch = 0 : i64, scratch_operands = 7 : i64, tpu.core_type = #tpu.core_type<sc_vector_subcore>, window_params = [{transform_indices = #map}, {transform_indices = #map1}, {transform_indices = #map}, {transform_indices = #map}, {transform_indices = #map}]} {
    %mul3A = arith.constant 2 : i32
    %mul3A_0 = arith.muli %arg1, %mul3A : i32
    %add3A = arith.addi %mul3A_0, %arg0 : i32
    %mul3A_1 = arith.constant 640 : i32
    %mul3A_2 = arith.muli %arg1, %mul3A_1 : i32
    %mul3A_3 = arith.constant 10000 : i32
    %mul3A_4 = arith.muli %add3A, %mul3A_3 : i32
    "tpu.region"() ({
      %run_scoped3A_51 = tpu.sem_alloc : memref<!tpu.dma_semaphore, #tpu.memory_space<semaphore_mem>>
      %dma_start3A_52 = tpu.memref_slice %arg3[%mul3A_4] : memref<320000xi32, #tpu.memory_space<hbm>> -> memref<10000xi32, #tpu.memory_space<hbm>>
      %dma_start3A_53 = tpu.memref_slice %arg3[%mul3A_4] : memref<320000xi32, #tpu.memory_space<hbm>> -> memref<10000xi32, #tpu.memory_space<hbm>>
      tpu.enqueue_dma source(%dma_start3A_53 : memref<10000xi32, #tpu.memory_space<hbm>>) target(%arg7 : memref<10000xi32, #tpu.memory_space<vmem>>) target_semaphore(%run_scoped3A_51 : memref<!tpu.dma_semaphore, #tpu.memory_space<semaphore_mem>>)
      %dma_wait3A_54 = tpu.memref_slice %arg3[%mul3A_4] : memref<320000xi32, #tpu.memory_space<hbm>> -> memref<10000xi32, #tpu.memory_space<hbm>>
      %dma_wait3A_55 = tpu.memref_slice %arg3[%mul3A_4] : memref<320000xi32, #tpu.memory_space<hbm>> -> memref<10000xi32, #tpu.memory_space<hbm>>
      tpu.wait_dma2 semaphore(%run_scoped3A_51 : memref<!tpu.dma_semaphore, #tpu.memory_space<semaphore_mem>>) src(%dma_wait3A_55 : memref<10000xi32, #tpu.memory_space<hbm>>) dst(%arg7 : memref<10000xi32, #tpu.memory_space<vmem>>)
      tpu.yield
    }) : () -> ()
    %dma_start3A = arith.constant 0 : i32
    %dma_start3A_5 = tpu.memref_slice %arg7[%dma_start3A] : memref<10000xi32, #tpu.memory_space<vmem>> -> memref<80xi32, #tpu.memory_space<vmem>>
    %dma_start3A_6 = arith.constant 0 : i32
    %dma_start3A_7 = arith.constant 0 : i32
    %dma_start3A_8 = tpu.memref_slice %arg2[%dma_start3A_6, %dma_start3A_7] : memref<40960x128xf32, #tpu.memory_space<hbm>> -> memref<40960x128xf32, #tpu.memory_space<hbm>>
    tpu.enqueue_indirect_dma source(%dma_start3A_8 : memref<40960x128xf32, #tpu.memory_space<hbm>>) target(%arg9 : memref<80x128xf32, #tpu.memory_space<vmem>>) offsets(%dma_start3A_5 : memref<80xi32, #tpu.memory_space<vmem>>) semaphore(%arg12 : memref<!tpu.dma_semaphore, #tpu.memory_space<semaphore_mem>>)
    %mul3A_9 = arith.constant 128 : i32
    %mul3A_10 = arith.muli %add3A, %mul3A_9 : i32
    "tpu.region"() ({
      %run_scoped3A_51 = tpu.sem_alloc : memref<!tpu.dma_semaphore, #tpu.memory_space<semaphore_mem>>
      %dma_start3A_52 = arith.constant 0 : i32
      %dma_start3A_53 = tpu.memref_slice %arg4[%mul3A_10, %dma_start3A_52] : memref<4096x80xi32, #tpu.memory_space<hbm>> -> memref<128x80xi32, #tpu.memory_space<hbm>>
      %dma_start3A_54 = arith.constant 0 : i32
      %dma_start3A_55 = tpu.memref_slice %arg4[%mul3A_10, %dma_start3A_54] : memref<4096x80xi32, #tpu.memory_space<hbm>> -> memref<128x80xi32, #tpu.memory_space<hbm>>
      tpu.enqueue_dma source(%dma_start3A_55 : memref<128x80xi32, #tpu.memory_space<hbm>>) target(%arg8 : memref<128x80xi32, #tpu.memory_space<vmem>>) target_semaphore(%run_scoped3A_51 : memref<!tpu.dma_semaphore, #tpu.memory_space<semaphore_mem>>)
      %dma_wait3A_56 = arith.constant 0 : i32
      %dma_wait3A_57 = tpu.memref_slice %arg4[%mul3A_10, %dma_wait3A_56] : memref<4096x80xi32, #tpu.memory_space<hbm>> -> memref<128x80xi32, #tpu.memory_space<hbm>>
      %dma_wait3A_58 = arith.constant 0 : i32
      %dma_wait3A_59 = tpu.memref_slice %arg4[%mul3A_10, %dma_wait3A_58] : memref<4096x80xi32, #tpu.memory_space<hbm>> -> memref<128x80xi32, #tpu.memory_space<hbm>>
      tpu.wait_dma2 semaphore(%run_scoped3A_51 : memref<!tpu.dma_semaphore, #tpu.memory_space<semaphore_mem>>) src(%dma_wait3A_59 : memref<128x80xi32, #tpu.memory_space<hbm>>) dst(%arg8 : memref<128x80xi32, #tpu.memory_space<vmem>>)
      tpu.yield
    }) : () -> ()
    %dma_start3A_11 = arith.constant 80 : i32
    %dma_start3A_12 = tpu.memref_slice %arg7[%dma_start3A_11] : memref<10000xi32, #tpu.memory_space<vmem>> -> memref<80xi32, #tpu.memory_space<vmem>>
    %dma_start3A_13 = arith.constant 0 : i32
    %dma_start3A_14 = arith.constant 0 : i32
    %dma_start3A_15 = tpu.memref_slice %arg2[%dma_start3A_13, %dma_start3A_14] : memref<40960x128xf32, #tpu.memory_space<hbm>> -> memref<40960x128xf32, #tpu.memory_space<hbm>>
    tpu.enqueue_indirect_dma source(%dma_start3A_15 : memref<40960x128xf32, #tpu.memory_space<hbm>>) target(%arg10 : memref<80x128xf32, #tpu.memory_space<vmem>>) offsets(%dma_start3A_12 : memref<80xi32, #tpu.memory_space<vmem>>) semaphore(%arg13 : memref<!tpu.dma_semaphore, #tpu.memory_space<semaphore_mem>>)
    "tpu.region"() ({
      %run_scoped3A_51 = tpu.sem_alloc : memref<!tpu.dma_semaphore, #tpu.memory_space<semaphore_mem>>
      %dma_start3A_52 = arith.constant 0 : i32
      %dma_start3A_53 = tpu.memref_slice %arg11[%mul3A_2, %dma_start3A_52] : memref<10240x128xf32, #tpu.memory_space<vmem_shared>> -> memref<640x128xf32, #tpu.memory_space<vmem_shared>>
      %dma_start3A_54 = arith.constant 0 : i32
      %dma_start3A_55 = tpu.memref_slice %arg5[%mul3A_2, %dma_start3A_54] : memref<10240x128xf32, #tpu.memory_space<hbm>> -> memref<640x128xf32, #tpu.memory_space<hbm>>
      tpu.enqueue_dma source(%dma_start3A_55 : memref<640x128xf32, #tpu.memory_space<hbm>>) target(%dma_start3A_53 : memref<640x128xf32, #tpu.memory_space<vmem_shared>>) target_semaphore(%run_scoped3A_51 : memref<!tpu.dma_semaphore, #tpu.memory_space<semaphore_mem>>)
      %dma_wait3A_56 = arith.constant 0 : i32
      %dma_wait3A_57 = tpu.memref_slice %arg11[%mul3A_2, %dma_wait3A_56] : memref<10240x128xf32, #tpu.memory_space<vmem_shared>> -> memref<640x128xf32, #tpu.memory_space<vmem_shared>>
      %dma_wait3A_58 = arith.constant 0 : i32
      %dma_wait3A_59 = tpu.memref_slice %arg5[%mul3A_2, %dma_wait3A_58] : memref<10240x128xf32, #tpu.memory_space<hbm>> -> memref<640x128xf32, #tpu.memory_space<hbm>>
      tpu.wait_dma2 semaphore(%run_scoped3A_51 : memref<!tpu.dma_semaphore, #tpu.memory_space<semaphore_mem>>) src(%dma_wait3A_59 : memref<640x128xf32, #tpu.memory_space<hbm>>) dst(%dma_wait3A_57 : memref<640x128xf32, #tpu.memory_space<vmem_shared>>)
      tpu.yield
    }) : () -> ()
    %barrier3A = arith.constant 0 : index
    tpu.barrier barrier_id(%barrier3A)
    %scan3A = arith.constant 0 : i32
    %scan3A_16 = arith.constant 0 : i32
    %scan3A_17 = arith.constant 61 : i32
    %scan3A_18 = arith.addi %scan3A_16, %scan3A_17 : i32
    %scan3A_19 = arith.constant 1 : i32
    %scan3A_20 = scf.for %scan3A_51 = %scan3A_16 to %scan3A_18 step %scan3A_19 iter_args(%scan3A_52 = %scan3A) -> (i32)  : i32 {
      %mul3A_53 = arith.constant 2 : i32
      %mul3A_54 = arith.muli %mul3A_53, %scan3A_51 : i32
      %dma_wait3A_55 = arith.constant 0 : i32
      %dma_wait3A_56 = tpu.memref_slice %arg7[%dma_wait3A_55] : memref<10000xi32, #tpu.memory_space<vmem>> -> memref<80xi32, #tpu.memory_space<vmem>>
      %dma_wait3A_57 = arith.constant 0 : i32
      %dma_wait3A_58 = arith.constant 0 : i32
      %dma_wait3A_59 = tpu.memref_slice %arg2[%dma_wait3A_57, %dma_wait3A_58] : memref<40960x128xf32, #tpu.memory_space<hbm>> -> memref<40960x128xf32, #tpu.memory_space<hbm>>
      tpu.wait_indirect_dma semaphore(%arg12 : memref<!tpu.dma_semaphore, #tpu.memory_space<semaphore_mem>>) src(%dma_wait3A_59 : memref<40960x128xf32, #tpu.memory_space<hbm>>) dst(%arg9 : memref<80x128xf32, #tpu.memory_space<vmem>>)
      "tpu.region"() ({
        %run_scoped3A_84 = tpu.sem_alloc : memref<!tpu.dma_semaphore, #tpu.memory_space<semaphore_mem>>
        %dma_start3A_85 = arith.constant 0 : i32
        %dma_start3A_86 = tpu.memref_slice %arg8[%mul3A_54, %dma_start3A_85] : memref<128x80xi32, #tpu.memory_space<vmem>> -> memref<1x80xi32, #tpu.memory_space<vmem>>
        %dma_start3A_87 = tpu.memref_squeeze %dma_start3A_86 : memref<1x80xi32, #tpu.memory_space<vmem>> -> memref<80xi32, #tpu.memory_space<vmem>>
        %dma_start3A_88 = arith.constant 0 : i32
        %dma_start3A_89 = arith.constant 0 : i32
        %dma_start3A_90 = tpu.memref_slice %arg11[%dma_start3A_88, %dma_start3A_89] : memref<10240x128xf32, #tpu.memory_space<vmem_shared>> -> memref<10240x128xf32, #tpu.memory_space<vmem_shared>>
        tpu.enqueue_indirect_dma source(%arg9 : memref<80x128xf32, #tpu.memory_space<vmem>>) target(%dma_start3A_90 : memref<10240x128xf32, #tpu.memory_space<vmem_shared>>) offsets(%dma_start3A_87 : memref<80xi32, #tpu.memory_space<vmem>>) semaphore(%run_scoped3A_84 : memref<!tpu.dma_semaphore, #tpu.memory_space<semaphore_mem>>) {add = true}
        %dma_wait3A_91 = arith.constant 0 : i32
        %dma_wait3A_92 = tpu.memref_slice %arg8[%mul3A_54, %dma_wait3A_91] : memref<128x80xi32, #tpu.memory_space<vmem>> -> memref<1x80xi32, #tpu.memory_space<vmem>>
        %dma_wait3A_93 = tpu.memref_squeeze %dma_wait3A_92 : memref<1x80xi32, #tpu.memory_space<vmem>> -> memref<80xi32, #tpu.memory_space<vmem>>
        %dma_wait3A_94 = arith.constant 0 : i32
        %dma_wait3A_95 = arith.constant 0 : i32
        %dma_wait3A_96 = tpu.memref_slice %arg11[%dma_wait3A_94, %dma_wait3A_95] : memref<10240x128xf32, #tpu.memory_space<vmem_shared>> -> memref<10240x128xf32, #tpu.memory_space<vmem_shared>>
        tpu.wait_indirect_dma semaphore(%run_scoped3A_84 : memref<!tpu.dma_semaphore, #tpu.memory_space<semaphore_mem>>) src(%arg9 : memref<80x128xf32, #tpu.memory_space<vmem>>) dst(%dma_wait3A_96 : memref<10240x128xf32, #tpu.memory_space<vmem_shared>>)
        tpu.yield
      }) : () -> ()
      %add3A_60 = arith.constant 2 : i32
      %add3A_61 = arith.addi %mul3A_54, %add3A_60 : i32
      %mul3A_62 = arith.constant 80 : i32
      %mul3A_63 = arith.muli %add3A_61, %mul3A_62 : i32
      %dma_start3A_64 = tpu.memref_slice %arg7[%mul3A_63] : memref<10000xi32, #tpu.memory_space<vmem>> -> memref<80xi32, #tpu.memory_space<vmem>>
      %dma_start3A_65 = arith.constant 0 : i32
      %dma_start3A_66 = arith.constant 0 : i32
      %dma_start3A_67 = tpu.memref_slice %arg2[%dma_start3A_65, %dma_start3A_66] : memref<40960x128xf32, #tpu.memory_space<hbm>> -> memref<40960x128xf32, #tpu.memory_space<hbm>>
      tpu.enqueue_indirect_dma source(%dma_start3A_67 : memref<40960x128xf32, #tpu.memory_space<hbm>>) target(%arg9 : memref<80x128xf32, #tpu.memory_space<vmem>>) offsets(%dma_start3A_64 : memref<80xi32, #tpu.memory_space<vmem>>) semaphore(%arg12 : memref<!tpu.dma_semaphore, #tpu.memory_space<semaphore_mem>>)
      %dma_wait3A_68 = arith.constant 0 : i32
      %dma_wait3A_69 = tpu.memref_slice %arg7[%dma_wait3A_68] : memref<10000xi32, #tpu.memory_space<vmem>> -> memref<80xi32, #tpu.memory_space<vmem>>
      %dma_wait3A_70 = arith.constant 0 : i32
      %dma_wait3A_71 = arith.constant 0 : i32
      %dma_wait3A_72 = tpu.memref_slice %arg2[%dma_wait3A_70, %dma_wait3A_71] : memref<40960x128xf32, #tpu.memory_space<hbm>> -> memref<40960x128xf32, #tpu.memory_space<hbm>>
      tpu.wait_indirect_dma semaphore(%arg13 : memref<!tpu.dma_semaphore, #tpu.memory_space<semaphore_mem>>) src(%dma_wait3A_72 : memref<40960x128xf32, #tpu.memory_space<hbm>>) dst(%arg10 : memref<80x128xf32, #tpu.memory_space<vmem>>)
      %add3A_73 = arith.constant 1 : i32
      %add3A_74 = arith.addi %mul3A_54, %add3A_73 : i32
      "tpu.region"() ({
        %run_scoped3A_84 = tpu.sem_alloc : memref<!tpu.dma_semaphore, #tpu.memory_space<semaphore_mem>>
        %dma_start3A_85 = arith.constant 0 : i32
        %dma_start3A_86 = tpu.memref_slice %arg8[%add3A_74, %dma_start3A_85] : memref<128x80xi32, #tpu.memory_space<vmem>> -> memref<1x80xi32, #tpu.memory_space<vmem>>
        %dma_start3A_87 = tpu.memref_squeeze %dma_start3A_86 : memref<1x80xi32, #tpu.memory_space<vmem>> -> memref<80xi32, #tpu.memory_space<vmem>>
        %dma_start3A_88 = arith.constant 0 : i32
        %dma_start3A_89 = arith.constant 0 : i32
        %dma_start3A_90 = tpu.memref_slice %arg11[%dma_start3A_88, %dma_start3A_89] : memref<10240x128xf32, #tpu.memory_space<vmem_shared>> -> memref<10240x128xf32, #tpu.memory_space<vmem_shared>>
        tpu.enqueue_indirect_dma source(%arg10 : memref<80x128xf32, #tpu.memory_space<vmem>>) target(%dma_start3A_90 : memref<10240x128xf32, #tpu.memory_space<vmem_shared>>) offsets(%dma_start3A_87 : memref<80xi32, #tpu.memory_space<vmem>>) semaphore(%run_scoped3A_84 : memref<!tpu.dma_semaphore, #tpu.memory_space<semaphore_mem>>) {add = true}
        %dma_wait3A_91 = arith.constant 0 : i32
        %dma_wait3A_92 = tpu.memref_slice %arg8[%add3A_74, %dma_wait3A_91] : memref<128x80xi32, #tpu.memory_space<vmem>> -> memref<1x80xi32, #tpu.memory_space<vmem>>
        %dma_wait3A_93 = tpu.memref_squeeze %dma_wait3A_92 : memref<1x80xi32, #tpu.memory_space<vmem>> -> memref<80xi32, #tpu.memory_space<vmem>>
        %dma_wait3A_94 = arith.constant 0 : i32
        %dma_wait3A_95 = arith.constant 0 : i32
        %dma_wait3A_96 = tpu.memref_slice %arg11[%dma_wait3A_94, %dma_wait3A_95] : memref<10240x128xf32, #tpu.memory_space<vmem_shared>> -> memref<10240x128xf32, #tpu.memory_space<vmem_shared>>
        tpu.wait_indirect_dma semaphore(%run_scoped3A_84 : memref<!tpu.dma_semaphore, #tpu.memory_space<semaphore_mem>>) src(%arg10 : memref<80x128xf32, #tpu.memory_space<vmem>>) dst(%dma_wait3A_96 : memref<10240x128xf32, #tpu.memory_space<vmem_shared>>)
        tpu.yield
      }) : () -> ()
      %add3A_75 = arith.constant 3 : i32
      %add3A_76 = arith.addi %mul3A_54, %add3A_75 : i32
      %mul3A_77 = arith.constant 80 : i32
      %mul3A_78 = arith.muli %add3A_76, %mul3A_77 : i32
      %dma_start3A_79 = tpu.memref_slice %arg7[%mul3A_78] : memref<10000xi32, #tpu.memory_space<vmem>> -> memref<80xi32, #tpu.memory_space<vmem>>
      %dma_start3A_80 = arith.constant 0 : i32
      %dma_start3A_81 = arith.constant 0 : i32
      %dma_start3A_82 = tpu.memref_slice %arg2[%dma_start3A_80, %dma_start3A_81] : memref<40960x128xf32, #tpu.memory_space<hbm>> -> memref<40960x128xf32, #tpu.memory_space<hbm>>
      tpu.enqueue_indirect_dma source(%dma_start3A_82 : memref<40960x128xf32, #tpu.memory_space<hbm>>) target(%arg10 : memref<80x128xf32, #tpu.memory_space<vmem>>) offsets(%dma_start3A_79 : memref<80xi32, #tpu.memory_space<vmem>>) semaphore(%arg13 : memref<!tpu.dma_semaphore, #tpu.memory_space<semaphore_mem>>)
      %scan3A_83 = arith.constant 0 : i32
      scf.yield %scan3A_83 : i32
    }
    %scan3A_21 = arith.constant 61 : i32
    %dma_wait3A = arith.constant 0 : i32
    %dma_wait3A_22 = tpu.memref_slice %arg7[%dma_wait3A] : memref<10000xi32, #tpu.memory_space<vmem>> -> memref<80xi32, #tpu.memory_space<vmem>>
    %dma_wait3A_23 = arith.constant 0 : i32
    %dma_wait3A_24 = arith.constant 0 : i32
    %dma_wait3A_25 = tpu.memref_slice %arg2[%dma_wait3A_23, %dma_wait3A_24] : memref<40960x128xf32, #tpu.memory_space<hbm>> -> memref<40960x128xf32, #tpu.memory_space<hbm>>
    tpu.wait_indirect_dma semaphore(%arg12 : memref<!tpu.dma_semaphore, #tpu.memory_space<semaphore_mem>>) src(%dma_wait3A_25 : memref<40960x128xf32, #tpu.memory_space<hbm>>) dst(%arg9 : memref<80x128xf32, #tpu.memory_space<vmem>>)
    %run_scoped3A = arith.constant 122 : i32
    "tpu.region"() ({
      %run_scoped3A_51 = tpu.sem_alloc : memref<!tpu.dma_semaphore, #tpu.memory_space<semaphore_mem>>
      %dma_start3A_52 = arith.constant 0 : i32
      %dma_start3A_53 = tpu.memref_slice %arg8[%run_scoped3A, %dma_start3A_52] : memref<128x80xi32, #tpu.memory_space<vmem>> -> memref<1x80xi32, #tpu.memory_space<vmem>>
      %dma_start3A_54 = tpu.memref_squeeze %dma_start3A_53 : memref<1x80xi32, #tpu.memory_space<vmem>> -> memref<80xi32, #tpu.memory_space<vmem>>
      %dma_start3A_55 = arith.constant 0 : i32
      %dma_start3A_56 = arith.constant 0 : i32
      %dma_start3A_57 = tpu.memref_slice %arg11[%dma_start3A_55, %dma_start3A_56] : memref<10240x128xf32, #tpu.memory_space<vmem_shared>> -> memref<10240x128xf32, #tpu.memory_space<vmem_shared>>
      tpu.enqueue_indirect_dma source(%arg9 : memref<80x128xf32, #tpu.memory_space<vmem>>) target(%dma_start3A_57 : memref<10240x128xf32, #tpu.memory_space<vmem_shared>>) offsets(%dma_start3A_54 : memref<80xi32, #tpu.memory_space<vmem>>) semaphore(%run_scoped3A_51 : memref<!tpu.dma_semaphore, #tpu.memory_space<semaphore_mem>>) {add = true}
      %dma_wait3A_58 = arith.constant 0 : i32
      %dma_wait3A_59 = tpu.memref_slice %arg8[%run_scoped3A, %dma_wait3A_58] : memref<128x80xi32, #tpu.memory_space<vmem>> -> memref<1x80xi32, #tpu.memory_space<vmem>>
      %dma_wait3A_60 = tpu.memref_squeeze %dma_wait3A_59 : memref<1x80xi32, #tpu.memory_space<vmem>> -> memref<80xi32, #tpu.memory_space<vmem>>
      %dma_wait3A_61 = arith.constant 0 : i32
      %dma_wait3A_62 = arith.constant 0 : i32
      %dma_wait3A_63 = tpu.memref_slice %arg11[%dma_wait3A_61, %dma_wait3A_62] : memref<10240x128xf32, #tpu.memory_space<vmem_shared>> -> memref<10240x128xf32, #tpu.memory_space<vmem_shared>>
      tpu.wait_indirect_dma semaphore(%run_scoped3A_51 : memref<!tpu.dma_semaphore, #tpu.memory_space<semaphore_mem>>) src(%arg9 : memref<80x128xf32, #tpu.memory_space<vmem>>) dst(%dma_wait3A_63 : memref<10240x128xf32, #tpu.memory_space<vmem_shared>>)
      tpu.yield
    }) : () -> ()
    %dma_start3A_26 = arith.constant 9920 : i32
    %dma_start3A_27 = tpu.memref_slice %arg7[%dma_start3A_26] : memref<10000xi32, #tpu.memory_space<vmem>> -> memref<80xi32, #tpu.memory_space<vmem>>
    %dma_start3A_28 = arith.constant 0 : i32
    %dma_start3A_29 = arith.constant 0 : i32
    %dma_start3A_30 = tpu.memref_slice %arg2[%dma_start3A_28, %dma_start3A_29] : memref<40960x128xf32, #tpu.memory_space<hbm>> -> memref<40960x128xf32, #tpu.memory_space<hbm>>
    tpu.enqueue_indirect_dma source(%dma_start3A_30 : memref<40960x128xf32, #tpu.memory_space<hbm>>) target(%arg9 : memref<80x128xf32, #tpu.memory_space<vmem>>) offsets(%dma_start3A_27 : memref<80xi32, #tpu.memory_space<vmem>>) semaphore(%arg12 : memref<!tpu.dma_semaphore, #tpu.memory_space<semaphore_mem>>)
    %dma_wait3A_31 = arith.constant 0 : i32
    %dma_wait3A_32 = tpu.memref_slice %arg7[%dma_wait3A_31] : memref<10000xi32, #tpu.memory_space<vmem>> -> memref<80xi32, #tpu.memory_space<vmem>>
    %dma_wait3A_33 = arith.constant 0 : i32
    %dma_wait3A_34 = arith.constant 0 : i32
    %dma_wait3A_35 = tpu.memref_slice %arg2[%dma_wait3A_33, %dma_wait3A_34] : memref<40960x128xf32, #tpu.memory_space<hbm>> -> memref<40960x128xf32, #tpu.memory_space<hbm>>
    tpu.wait_indirect_dma semaphore(%arg13 : memref<!tpu.dma_semaphore, #tpu.memory_space<semaphore_mem>>) src(%dma_wait3A_35 : memref<40960x128xf32, #tpu.memory_space<hbm>>) dst(%arg10 : memref<80x128xf32, #tpu.memory_space<vmem>>)
    %run_scoped3A_36 = arith.constant 123 : i32
    "tpu.region"() ({
      %run_scoped3A_51 = tpu.sem_alloc : memref<!tpu.dma_semaphore, #tpu.memory_space<semaphore_mem>>
      %dma_start3A_52 = arith.constant 0 : i32
      %dma_start3A_53 = tpu.memref_slice %arg8[%run_scoped3A_36, %dma_start3A_52] : memref<128x80xi32, #tpu.memory_space<vmem>> -> memref<1x80xi32, #tpu.memory_space<vmem>>
      %dma_start3A_54 = tpu.memref_squeeze %dma_start3A_53 : memref<1x80xi32, #tpu.memory_space<vmem>> -> memref<80xi32, #tpu.memory_space<vmem>>
      %dma_start3A_55 = arith.constant 0 : i32
      %dma_start3A_56 = arith.constant 0 : i32
      %dma_start3A_57 = tpu.memref_slice %arg11[%dma_start3A_55, %dma_start3A_56] : memref<10240x128xf32, #tpu.memory_space<vmem_shared>> -> memref<10240x128xf32, #tpu.memory_space<vmem_shared>>
      tpu.enqueue_indirect_dma source(%arg10 : memref<80x128xf32, #tpu.memory_space<vmem>>) target(%dma_start3A_57 : memref<10240x128xf32, #tpu.memory_space<vmem_shared>>) offsets(%dma_start3A_54 : memref<80xi32, #tpu.memory_space<vmem>>) semaphore(%run_scoped3A_51 : memref<!tpu.dma_semaphore, #tpu.memory_space<semaphore_mem>>) {add = true}
      %dma_wait3A_58 = arith.constant 0 : i32
      %dma_wait3A_59 = tpu.memref_slice %arg8[%run_scoped3A_36, %dma_wait3A_58] : memref<128x80xi32, #tpu.memory_space<vmem>> -> memref<1x80xi32, #tpu.memory_space<vmem>>
      %dma_wait3A_60 = tpu.memref_squeeze %dma_wait3A_59 : memref<1x80xi32, #tpu.memory_space<vmem>> -> memref<80xi32, #tpu.memory_space<vmem>>
      %dma_wait3A_61 = arith.constant 0 : i32
      %dma_wait3A_62 = arith.constant 0 : i32
      %dma_wait3A_63 = tpu.memref_slice %arg11[%dma_wait3A_61, %dma_wait3A_62] : memref<10240x128xf32, #tpu.memory_space<vmem_shared>> -> memref<10240x128xf32, #tpu.memory_space<vmem_shared>>
      tpu.wait_indirect_dma semaphore(%run_scoped3A_51 : memref<!tpu.dma_semaphore, #tpu.memory_space<semaphore_mem>>) src(%arg10 : memref<80x128xf32, #tpu.memory_space<vmem>>) dst(%dma_wait3A_63 : memref<10240x128xf32, #tpu.memory_space<vmem_shared>>)
      tpu.yield
    }) : () -> ()
    %dma_wait3A_37 = arith.constant 0 : i32
    %dma_wait3A_38 = tpu.memref_slice %arg7[%dma_wait3A_37] : memref<10000xi32, #tpu.memory_space<vmem>> -> memref<80xi32, #tpu.memory_space<vmem>>
    %dma_wait3A_39 = arith.constant 0 : i32
    %dma_wait3A_40 = arith.constant 0 : i32
    %dma_wait3A_41 = tpu.memref_slice %arg2[%dma_wait3A_39, %dma_wait3A_40] : memref<40960x128xf32, #tpu.memory_space<hbm>> -> memref<40960x128xf32, #tpu.memory_space<hbm>>
    tpu.wait_indirect_dma semaphore(%arg12 : memref<!tpu.dma_semaphore, #tpu.memory_space<semaphore_mem>>) src(%dma_wait3A_41 : memref<40960x128xf32, #tpu.memory_space<hbm>>) dst(%arg9 : memref<80x128xf32, #tpu.memory_space<vmem>>)
    %run_scoped3A_42 = arith.constant 124 : i32
    "tpu.region"() ({
      %run_scoped3A_51 = tpu.sem_alloc : memref<!tpu.dma_semaphore, #tpu.memory_space<semaphore_mem>>
      %dma_start3A_52 = arith.constant 0 : i32
      %dma_start3A_53 = tpu.memref_slice %arg8[%run_scoped3A_42, %dma_start3A_52] : memref<128x80xi32, #tpu.memory_space<vmem>> -> memref<1x80xi32, #tpu.memory_space<vmem>>
      %dma_start3A_54 = tpu.memref_squeeze %dma_start3A_53 : memref<1x80xi32, #tpu.memory_space<vmem>> -> memref<80xi32, #tpu.memory_space<vmem>>
      %dma_start3A_55 = arith.constant 0 : i32
      %dma_start3A_56 = arith.constant 0 : i32
      %dma_start3A_57 = tpu.memref_slice %arg11[%dma_start3A_55, %dma_start3A_56] : memref<10240x128xf32, #tpu.memory_space<vmem_shared>> -> memref<10240x128xf32, #tpu.memory_space<vmem_shared>>
      tpu.enqueue_indirect_dma source(%arg9 : memref<80x128xf32, #tpu.memory_space<vmem>>) target(%dma_start3A_57 : memref<10240x128xf32, #tpu.memory_space<vmem_shared>>) offsets(%dma_start3A_54 : memref<80xi32, #tpu.memory_space<vmem>>) semaphore(%run_scoped3A_51 : memref<!tpu.dma_semaphore, #tpu.memory_space<semaphore_mem>>) {add = true}
      %dma_wait3A_58 = arith.constant 0 : i32
      %dma_wait3A_59 = tpu.memref_slice %arg8[%run_scoped3A_42, %dma_wait3A_58] : memref<128x80xi32, #tpu.memory_space<vmem>> -> memref<1x80xi32, #tpu.memory_space<vmem>>
      %dma_wait3A_60 = tpu.memref_squeeze %dma_wait3A_59 : memref<1x80xi32, #tpu.memory_space<vmem>> -> memref<80xi32, #tpu.memory_space<vmem>>
      %dma_wait3A_61 = arith.constant 0 : i32
      %dma_wait3A_62 = arith.constant 0 : i32
      %dma_wait3A_63 = tpu.memref_slice %arg11[%dma_wait3A_61, %dma_wait3A_62] : memref<10240x128xf32, #tpu.memory_space<vmem_shared>> -> memref<10240x128xf32, #tpu.memory_space<vmem_shared>>
      tpu.wait_indirect_dma semaphore(%run_scoped3A_51 : memref<!tpu.dma_semaphore, #tpu.memory_space<semaphore_mem>>) src(%arg9 : memref<80x128xf32, #tpu.memory_space<vmem>>) dst(%dma_wait3A_63 : memref<10240x128xf32, #tpu.memory_space<vmem_shared>>)
      tpu.yield
    }) : () -> ()
    %barrier3A_43 = arith.constant 0 : index
    tpu.barrier barrier_id(%barrier3A_43)
    %scan3A_44 = arith.constant 0 : i32
    %scan3A_45 = arith.constant 0 : i32
    %scan3A_46 = arith.constant 5 : i32
    %scan3A_47 = arith.addi %scan3A_45, %scan3A_46 : i32
    %scan3A_48 = arith.constant 1 : i32
    %scan3A_49 = scf.for %scan3A_51 = %scan3A_45 to %scan3A_47 step %scan3A_48 iter_args(%scan3A_52 = %scan3A_44) -> (i32)  : i32 {
      %mul3A_53 = arith.constant 128 : i32
      %mul3A_54 = arith.muli %scan3A_51, %mul3A_53 : i32
      %add3A_55 = arith.addi %mul3A_2, %mul3A_54 : i32
      %mul3A_56 = arith.constant 10240 : i32
      %mul3A_57 = arith.muli %arg0, %mul3A_56 : i32
      %add3A_58 = arith.addi %mul3A_57, %add3A_55 : i32
      "tpu.region"() ({
        %run_scoped3A_60 = tpu.sem_alloc : memref<!tpu.dma_semaphore, #tpu.memory_space<semaphore_mem>>
        %dma_start3A_61 = arith.constant 0 : i32
        %dma_start3A_62 = tpu.memref_slice %arg6[%add3A_58, %dma_start3A_61] : memref<20480x128xf32, #tpu.memory_space<hbm>> -> memref<128x128xf32, #tpu.memory_space<hbm>>
        %dma_start3A_63 = arith.constant 0 : i32
        %dma_start3A_64 = tpu.memref_slice %arg11[%add3A_55, %dma_start3A_63] : memref<10240x128xf32, #tpu.memory_space<vmem_shared>> -> memref<128x128xf32, #tpu.memory_space<vmem_shared>>
        tpu.enqueue_dma source(%dma_start3A_64 : memref<128x128xf32, #tpu.memory_space<vmem_shared>>) target(%dma_start3A_62 : memref<128x128xf32, #tpu.memory_space<hbm>>) target_semaphore(%run_scoped3A_60 : memref<!tpu.dma_semaphore, #tpu.memory_space<semaphore_mem>>)
        %dma_wait3A_65 = arith.constant 0 : i32
        %dma_wait3A_66 = tpu.memref_slice %arg6[%add3A_58, %dma_wait3A_65] : memref<20480x128xf32, #tpu.memory_space<hbm>> -> memref<128x128xf32, #tpu.memory_space<hbm>>
        %dma_wait3A_67 = arith.constant 0 : i32
        %dma_wait3A_68 = tpu.memref_slice %arg11[%add3A_55, %dma_wait3A_67] : memref<10240x128xf32, #tpu.memory_space<vmem_shared>> -> memref<128x128xf32, #tpu.memory_space<vmem_shared>>
        tpu.wait_dma2 semaphore(%run_scoped3A_60 : memref<!tpu.dma_semaphore, #tpu.memory_space<semaphore_mem>>) src(%dma_wait3A_68 : memref<128x128xf32, #tpu.memory_space<vmem_shared>>) dst(%dma_wait3A_66 : memref<128x128xf32, #tpu.memory_space<hbm>>)
        tpu.yield
      }) : () -> ()
      %scan3A_59 = arith.constant 0 : i32
      scf.yield %scan3A_59 : i32
    }
    %scan3A_50 = arith.constant 5 : i32
    return
  }
}

module attributes {stable_mosaic.version = 14 : i64} {
  func.func @_gidx_body(%arg0: memref<2500x128xi32, #tpu.memory_space<vmem>>, %arg1: memref<2500x128xi32, #tpu.memory_space<vmem>>, %arg2: memref<2500x128xi32, #tpu.memory_space<vmem>>) attributes {dimension_semantics = [], scalar_prefetch = 0 : i64, scratch_operands = 0 : i64, tpu.core_type = #tpu.core_type<tc>} {
    %get3A = arith.constant 0 : index
    %get3A_0 = arith.constant 0 : index
    %get3A_1 = vector.load %arg1[%get3A, %get3A_0] : memref<2500x128xi32, #tpu.memory_space<vmem>>, vector<2500x128xi32>
    %mul3A = arith.constant 10240 : i32
    %mul3A_2 = vector.broadcast %mul3A : i32 to vector<2500x128xi32>
    %mul3A_3 = arith.muli %get3A_1, %mul3A_2 : vector<2500x128xi32>
    %get3A_4 = arith.constant 0 : index
    %get3A_5 = arith.constant 0 : index
    %get3A_6 = vector.load %arg0[%get3A_4, %get3A_5] : memref<2500x128xi32, #tpu.memory_space<vmem>>, vector<2500x128xi32>
    %add3A = arith.addi %mul3A_3, %get3A_6 : vector<2500x128xi32>
    %swap3A = arith.constant 0 : index
    %swap3A_7 = arith.constant 0 : index
    %swap3A_8 = vector.load %arg2[%swap3A, %swap3A_7] : memref<2500x128xi32, #tpu.memory_space<vmem>>, vector<2500x128xi32>
    tpu.vector_store %arg2[%swap3A, %swap3A_7], %add3A {strides = array<i32>} : memref<2500x128xi32, #tpu.memory_space<vmem>>, vector<2500x128xi32>,
    return
  }
}

module attributes {stable_mosaic.version = 14 : i64} {
  func.func @_y_body(%arg0: i32, %arg1: memref<1024x128xf32, #tpu.memory_space<vmem>>, %arg2: memref<4x128x128xf32, #tpu.memory_space<vmem>>, %arg3: memref<4x128xf32, #tpu.memory_space<vmem>>, %arg4: memref<4x1024x128xf32, #tpu.memory_space<vmem>>) attributes {dimension_semantics = [#tpu.dimension_semantics<arbitrary>], iteration_bounds = array<i64: 10>, scalar_prefetch = 0 : i64, scratch_operands = 0 : i64, tpu.core_type = #tpu.core_type<tc>, window_params = [{transform_indices = @transform_0, window_bounds = array<i64: 1024, 128>}, {pipeline_mode = #tpu.pipeline_mode<synchronous>, transform_indices = @transform_1, window_bounds = array<i64: 4, 128, 128>}, {pipeline_mode = #tpu.pipeline_mode<synchronous>, transform_indices = @transform_2, window_bounds = array<i64: 4, 128>}, {transform_indices = @transform_3, window_bounds = array<i64: 4, 1024, 128>}]} {
    %get3A = arith.constant 0 : index
    %get3A_0 = arith.constant 0 : index
    %get3A_1 = vector.load %arg1[%get3A, %get3A_0] : memref<1024x128xf32, #tpu.memory_space<vmem>>, vector<1024x128xf32>
    %get3A_2 = arith.constant 0 : index
    %get3A_3 = arith.constant 0 : index
    %get3A_4 = arith.constant 0 : index
    %get3A_5 = vector.load %arg2[%get3A_2, %get3A_3, %get3A_4] : memref<4x128x128xf32, #tpu.memory_space<vmem>>, vector<1x128x128xf32>
    %get3A_6 = vector.shape_cast %get3A_5 : vector<1x128x128xf32> to vector<128x128xf32>
    %dot_general3A = arith.constant dense<0.000000e+00> : vector<1024x128xf32>
    %dot_general3A_7 = tpu.matmul %get3A_1, %get3A_6, %dot_general3A {dimension_numbers = #tpu.dot_dimension_numbers<[1], [0], [0], [1], [0, 0, 1, 1], [], []>, transpose_lhs_hint = false} : vector<1024x128xf32>, vector<128x128xf32>, vector<1024x128xf32> -> vector<1024x128xf32>
    %get3A_8 = arith.constant 0 : index
    %get3A_9 = arith.constant 0 : index
    %get3A_10 = vector.load %arg3[%get3A_8, %get3A_9] : memref<4x128xf32, #tpu.memory_space<vmem>>, vector<1x128xf32>
    %get3A_11 = vector.shape_cast %get3A_10 : vector<1x128xf32> to vector<128xf32>
    %broadcast_in_dim3A = vector.shape_cast %get3A_11 : vector<128xf32> to vector<1x128xf32>
    %add3A = vector.broadcast %broadcast_in_dim3A : vector<1x128xf32> to vector<1024x128xf32>
    %add3A_12 = arith.addf %dot_general3A_7, %add3A : vector<1024x128xf32>
    %swap3A = arith.constant 0 : index
    %swap3A_13 = arith.constant 0 : index
    %swap3A_14 = arith.constant 0 : index
    %swap3A_15 = vector.load %arg4[%swap3A, %swap3A_13, %swap3A_14] : memref<4x1024x128xf32, #tpu.memory_space<vmem>>, vector<1x1024x128xf32>
    %swap3A_16 = vector.shape_cast %swap3A_15 : vector<1x1024x128xf32> to vector<1024x128xf32>
    %swap3A_17 = vector.shape_cast %add3A_12 : vector<1024x128xf32> to vector<1x1024x128xf32>
    tpu.vector_store %arg4[%swap3A, %swap3A_13, %swap3A_14], %swap3A_17 {strides = array<i32>} : memref<4x1024x128xf32, #tpu.memory_space<vmem>>, vector<1x1024x128xf32>,
    %get3A_18 = arith.constant 1 : index
    %get3A_19 = arith.constant 0 : index
    %get3A_20 = arith.constant 0 : index
    %get3A_21 = vector.load %arg2[%get3A_18, %get3A_19, %get3A_20] : memref<4x128x128xf32, #tpu.memory_space<vmem>>, vector<1x128x128xf32>
    %get3A_22 = vector.shape_cast %get3A_21 : vector<1x128x128xf32> to vector<128x128xf32>
    %dot_general3A_23 = arith.constant dense<0.000000e+00> : vector<1024x128xf32>
    %dot_general3A_24 = tpu.matmul %get3A_1, %get3A_22, %dot_general3A_23 {dimension_numbers = #tpu.dot_dimension_numbers<[1], [0], [0], [1], [0, 0, 1, 1], [], []>, transpose_lhs_hint = false} : vector<1024x128xf32>, vector<128x128xf32>, vector<1024x128xf32> -> vector<1024x128xf32>
    %get3A_25 = arith.constant 1 : index
    %get3A_26 = arith.constant 0 : index
    %get3A_27 = vector.load %arg3[%get3A_25, %get3A_26] : memref<4x128xf32, #tpu.memory_space<vmem>>, vector<1x128xf32>
    %get3A_28 = vector.shape_cast %get3A_27 : vector<1x128xf32> to vector<128xf32>
    %broadcast_in_dim3A_29 = vector.shape_cast %get3A_28 : vector<128xf32> to vector<1x128xf32>
    %add3A_30 = vector.broadcast %broadcast_in_dim3A_29 : vector<1x128xf32> to vector<1024x128xf32>
    %add3A_31 = arith.addf %dot_general3A_24, %add3A_30 : vector<1024x128xf32>
    %swap3A_32 = arith.constant 1 : index
    %swap3A_33 = arith.constant 0 : index
    %swap3A_34 = arith.constant 0 : index
    %swap3A_35 = vector.load %arg4[%swap3A_32, %swap3A_33, %swap3A_34] : memref<4x1024x128xf32, #tpu.memory_space<vmem>>, vector<1x1024x128xf32>
    %swap3A_36 = vector.shape_cast %swap3A_35 : vector<1x1024x128xf32> to vector<1024x128xf32>
    %swap3A_37 = vector.shape_cast %add3A_31 : vector<1024x128xf32> to vector<1x1024x128xf32>
    tpu.vector_store %arg4[%swap3A_32, %swap3A_33, %swap3A_34], %swap3A_37 {strides = array<i32>} : memref<4x1024x128xf32, #tpu.memory_space<vmem>>, vector<1x1024x128xf32>,
    %get3A_38 = arith.constant 2 : index
    %get3A_39 = arith.constant 0 : index
    %get3A_40 = arith.constant 0 : index
    %get3A_41 = vector.load %arg2[%get3A_38, %get3A_39, %get3A_40] : memref<4x128x128xf32, #tpu.memory_space<vmem>>, vector<1x128x128xf32>
    %get3A_42 = vector.shape_cast %get3A_41 : vector<1x128x128xf32> to vector<128x128xf32>
    %dot_general3A_43 = arith.constant dense<0.000000e+00> : vector<1024x128xf32>
    %dot_general3A_44 = tpu.matmul %get3A_1, %get3A_42, %dot_general3A_43 {dimension_numbers = #tpu.dot_dimension_numbers<[1], [0], [0], [1], [0, 0, 1, 1], [], []>, transpose_lhs_hint = false} : vector<1024x128xf32>, vector<128x128xf32>, vector<1024x128xf32> -> vector<1024x128xf32>
    %get3A_45 = arith.constant 2 : index
    %get3A_46 = arith.constant 0 : index
    %get3A_47 = vector.load %arg3[%get3A_45, %get3A_46] : memref<4x128xf32, #tpu.memory_space<vmem>>, vector<1x128xf32>
    %get3A_48 = vector.shape_cast %get3A_47 : vector<1x128xf32> to vector<128xf32>
    %broadcast_in_dim3A_49 = vector.shape_cast %get3A_48 : vector<128xf32> to vector<1x128xf32>
    %add3A_50 = vector.broadcast %broadcast_in_dim3A_49 : vector<1x128xf32> to vector<1024x128xf32>
    %add3A_51 = arith.addf %dot_general3A_44, %add3A_50 : vector<1024x128xf32>
    %swap3A_52 = arith.constant 2 : index
    %swap3A_53 = arith.constant 0 : index
    %swap3A_54 = arith.constant 0 : index
    %swap3A_55 = vector.load %arg4[%swap3A_52, %swap3A_53, %swap3A_54] : memref<4x1024x128xf32, #tpu.memory_space<vmem>>, vector<1x1024x128xf32>
    %swap3A_56 = vector.shape_cast %swap3A_55 : vector<1x1024x128xf32> to vector<1024x128xf32>
    %swap3A_57 = vector.shape_cast %add3A_51 : vector<1024x128xf32> to vector<1x1024x128xf32>
    tpu.vector_store %arg4[%swap3A_52, %swap3A_53, %swap3A_54], %swap3A_57 {strides = array<i32>} : memref<4x1024x128xf32, #tpu.memory_space<vmem>>, vector<1x1024x128xf32>,
    %get3A_58 = arith.constant 3 : index
    %get3A_59 = arith.constant 0 : index
    %get3A_60 = arith.constant 0 : index
    %get3A_61 = vector.load %arg2[%get3A_58, %get3A_59, %get3A_60] : memref<4x128x128xf32, #tpu.memory_space<vmem>>, vector<1x128x128xf32>
    %get3A_62 = vector.shape_cast %get3A_61 : vector<1x128x128xf32> to vector<128x128xf32>
    %dot_general3A_63 = arith.constant dense<0.000000e+00> : vector<1024x128xf32>
    %dot_general3A_64 = tpu.matmul %get3A_1, %get3A_62, %dot_general3A_63 {dimension_numbers = #tpu.dot_dimension_numbers<[1], [0], [0], [1], [0, 0, 1, 1], [], []>, transpose_lhs_hint = false} : vector<1024x128xf32>, vector<128x128xf32>, vector<1024x128xf32> -> vector<1024x128xf32>
    %get3A_65 = arith.constant 3 : index
    %get3A_66 = arith.constant 0 : index
    %get3A_67 = vector.load %arg3[%get3A_65, %get3A_66] : memref<4x128xf32, #tpu.memory_space<vmem>>, vector<1x128xf32>
    %get3A_68 = vector.shape_cast %get3A_67 : vector<1x128xf32> to vector<128xf32>
    %broadcast_in_dim3A_69 = vector.shape_cast %get3A_68 : vector<128xf32> to vector<1x128xf32>
    %add3A_70 = vector.broadcast %broadcast_in_dim3A_69 : vector<1x128xf32> to vector<1024x128xf32>
    %add3A_71 = arith.addf %dot_general3A_64, %add3A_70 : vector<1024x128xf32>
    %swap3A_72 = arith.constant 3 : index
    %swap3A_73 = arith.constant 0 : index
    %swap3A_74 = arith.constant 0 : index
    %swap3A_75 = vector.load %arg4[%swap3A_72, %swap3A_73, %swap3A_74] : memref<4x1024x128xf32, #tpu.memory_space<vmem>>, vector<1x1024x128xf32>
    %swap3A_76 = vector.shape_cast %swap3A_75 : vector<1x1024x128xf32> to vector<1024x128xf32>
    %swap3A_77 = vector.shape_cast %add3A_71 : vector<1024x128xf32> to vector<1x1024x128xf32>
    tpu.vector_store %arg4[%swap3A_72, %swap3A_73, %swap3A_74], %swap3A_77 {strides = array<i32>} : memref<4x1024x128xf32, #tpu.memory_space<vmem>>, vector<1x1024x128xf32>,
    return
  }
  func.func @transform_0(%arg0: i32) -> (i32, i32) {
    %c0_i32 = arith.constant 0 : i32
    %c0_i32_0 = arith.constant 0 : i32
    return %arg0, %c0_i32 : i32, i32
  }
  func.func @transform_1(%arg0: i32) -> (i32, i32, i32) {
    %c0_i32 = arith.constant 0 : i32
    %c0_i32_0 = arith.constant 0 : i32
    %c0_i32_1 = arith.constant 0 : i32
    %c0_i32_2 = arith.constant 0 : i32
    return %c0_i32, %c0_i32_0, %c0_i32_1 : i32, i32, i32
  }
  func.func @transform_2(%arg0: i32) -> (i32, i32) {
    %c0_i32 = arith.constant 0 : i32
    %c0_i32_0 = arith.constant 0 : i32
    %c0_i32_1 = arith.constant 0 : i32
    return %c0_i32, %c0_i32_0 : i32, i32
  }
  func.func @transform_3(%arg0: i32) -> (i32, i32, i32) {
    %c0_i32 = arith.constant 0 : i32
    %c0_i32_0 = arith.constant 0 : i32
    %c0_i32_1 = arith.constant 0 : i32
    return %c0_i32, %arg0, %c0_i32_0 : i32, i32, i32
  }
}

module attributes {stable_mosaic.version = 14 : i64} {
  func.func @_gru_y_body(%arg0: i32, %arg1: memref<2x1024x128xf32, #tpu.memory_space<vmem>>, %arg2: memref<1024x128xf32, #tpu.memory_space<vmem>>, %arg3: memref<128x384xf32, #tpu.memory_space<vmem>>, %arg4: memref<128x384xf32, #tpu.memory_space<vmem>>, %arg5: memref<1x384xf32, #tpu.memory_space<vmem>>, %arg6: memref<1x384xf32, #tpu.memory_space<vmem>>, %arg7: memref<4x128x128xf32, #tpu.memory_space<vmem>>, %arg8: memref<4x128xf32, #tpu.memory_space<vmem>>, %arg9: memref<1024x128xf32, #tpu.memory_space<vmem>>, %arg10: memref<4x1024x128xf32, #tpu.memory_space<vmem>>) attributes {dimension_semantics = [#tpu.dimension_semantics<arbitrary>], iteration_bounds = array<i64: 10>, scalar_prefetch = 0 : i64, scratch_operands = 0 : i64, tpu.core_type = #tpu.core_type<tc>, window_params = [{transform_indices = @transform_0, window_bounds = array<i64: 2, 1024, 128>}, {transform_indices = @transform_1, window_bounds = array<i64: 1024, 128>}, {pipeline_mode = #tpu.pipeline_mode<synchronous>, transform_indices = @transform_2, window_bounds = array<i64: 128, 384>}, {pipeline_mode = #tpu.pipeline_mode<synchronous>, transform_indices = @transform_3, window_bounds = array<i64: 128, 384>}, {pipeline_mode = #tpu.pipeline_mode<synchronous>, transform_indices = @transform_4, window_bounds = array<i64: 1, 384>}, {pipeline_mode = #tpu.pipeline_mode<synchronous>, transform_indices = @transform_5, window_bounds = array<i64: 1, 384>}, {pipeline_mode = #tpu.pipeline_mode<synchronous>, transform_indices = @transform_6, window_bounds = array<i64: 4, 128, 128>}, {pipeline_mode = #tpu.pipeline_mode<synchronous>, transform_indices = @transform_7, window_bounds = array<i64: 4, 128>}, {transform_indices = @transform_8, window_bounds = array<i64: 1024, 128>}, {transform_indices = @transform_9, window_bounds = array<i64: 4, 1024, 128>}]} {
    %get3A = arith.constant 0 : index
    %get3A_0 = arith.constant 0 : index
    %get3A_1 = arith.constant 0 : index
    %get3A_2 = vector.load %arg1[%get3A, %get3A_0, %get3A_1] : memref<2x1024x128xf32, #tpu.memory_space<vmem>>, vector<1x1024x128xf32>
    %get3A_3 = vector.shape_cast %get3A_2 : vector<1x1024x128xf32> to vector<1024x128xf32>
    %get3A_4 = arith.constant 1 : index
    %get3A_5 = arith.constant 0 : index
    %get3A_6 = arith.constant 0 : index
    %get3A_7 = vector.load %arg1[%get3A_4, %get3A_5, %get3A_6] : memref<2x1024x128xf32, #tpu.memory_space<vmem>>, vector<1x1024x128xf32>
    %get3A_8 = vector.shape_cast %get3A_7 : vector<1x1024x128xf32> to vector<1024x128xf32>
    %add3A = arith.addf %get3A_3, %get3A_8 : vector<1024x128xf32>
    %get3A_9 = arith.constant 0 : index
    %get3A_10 = arith.constant 0 : index
    %get3A_11 = vector.load %arg2[%get3A_9, %get3A_10] : memref<1024x128xf32, #tpu.memory_space<vmem>>, vector<1024x128xf32>
    %get3A_12 = arith.constant 0 : index
    %get3A_13 = arith.constant 0 : index
    %get3A_14 = vector.load %arg3[%get3A_12, %get3A_13] : memref<128x384xf32, #tpu.memory_space<vmem>>, vector<128x384xf32>
    %dot_general3A = arith.constant dense<0.000000e+00> : vector<1024x384xf32>
    %dot_general3A_15 = tpu.matmul %add3A, %get3A_14, %dot_general3A {dimension_numbers = #tpu.dot_dimension_numbers<[1], [0], [0], [1], [0, 0, 1, 1], [], []>, transpose_lhs_hint = false} : vector<1024x128xf32>, vector<128x384xf32>, vector<1024x384xf32> -> vector<1024x384xf32>
    %get3A_16 = arith.constant 0 : index
    %get3A_17 = arith.constant 0 : index
    %get3A_18 = vector.load %arg5[%get3A_16, %get3A_17] : memref<1x384xf32, #tpu.memory_space<vmem>>, vector<1x384xf32>
    %add3A_19 = vector.broadcast %get3A_18 : vector<1x384xf32> to vector<1024x384xf32>
    %add3A_20 = arith.addf %dot_general3A_15, %add3A_19 : vector<1024x384xf32>
    %get3A_21 = arith.constant 0 : index
    %get3A_22 = arith.constant 0 : index
    %get3A_23 = vector.load %arg4[%get3A_21, %get3A_22] : memref<128x384xf32, #tpu.memory_space<vmem>>, vector<128x384xf32>
    %dot_general3A_24 = arith.constant dense<0.000000e+00> : vector<1024x384xf32>
    %dot_general3A_25 = tpu.matmul %get3A_11, %get3A_23, %dot_general3A_24 {dimension_numbers = #tpu.dot_dimension_numbers<[1], [0], [0], [1], [0, 0, 1, 1], [], []>, transpose_lhs_hint = false} : vector<1024x128xf32>, vector<128x384xf32>, vector<1024x384xf32> -> vector<1024x384xf32>
    %get3A_26 = arith.constant 0 : index
    %get3A_27 = arith.constant 0 : index
    %get3A_28 = vector.load %arg6[%get3A_26, %get3A_27] : memref<1x384xf32, #tpu.memory_space<vmem>>, vector<1x384xf32>
    %add3A_29 = vector.broadcast %get3A_28 : vector<1x384xf32> to vector<1024x384xf32>
    %add3A_30 = arith.addf %dot_general3A_25, %add3A_29 : vector<1024x384xf32>
    %slice3A = vector.extract_strided_slice %add3A_20 {offsets = [0, 0], sizes = [1024, 128], strides = [1, 1]} : vector<1024x384xf32> to vector<1024x128xf32>
    %slice3A_31 = vector.extract_strided_slice %add3A_30 {offsets = [0, 0], sizes = [1024, 128], strides = [1, 1]} : vector<1024x384xf32> to vector<1024x128xf32>
    %add3A_32 = arith.addf %slice3A, %slice3A_31 : vector<1024x128xf32>
    %logistic3A = arith.negf %add3A_32 : vector<1024x128xf32>
    %logistic3A_33 = math.exp %logistic3A : vector<1024x128xf32>
    %logistic3A_34 = arith.constant 1.000000e+00 : f32
    %logistic3A_35 = vector.broadcast %logistic3A_34 : f32 to vector<1024x128xf32>
    %logistic3A_36 = arith.addf %logistic3A_35, %logistic3A_33 : vector<1024x128xf32>
    %logistic3A_37 = arith.divf %logistic3A_35, %logistic3A_36 : vector<1024x128xf32>
    %slice3A_38 = vector.extract_strided_slice %add3A_20 {offsets = [0, 128], sizes = [1024, 128], strides = [1, 1]} : vector<1024x384xf32> to vector<1024x128xf32>
    %slice3A_39 = vector.extract_strided_slice %add3A_30 {offsets = [0, 128], sizes = [1024, 128], strides = [1, 1]} : vector<1024x384xf32> to vector<1024x128xf32>
    %add3A_40 = arith.addf %slice3A_38, %slice3A_39 : vector<1024x128xf32>
    %logistic3A_41 = arith.negf %add3A_40 : vector<1024x128xf32>
    %logistic3A_42 = math.exp %logistic3A_41 : vector<1024x128xf32>
    %logistic3A_43 = arith.constant 1.000000e+00 : f32
    %logistic3A_44 = vector.broadcast %logistic3A_43 : f32 to vector<1024x128xf32>
    %logistic3A_45 = arith.addf %logistic3A_44, %logistic3A_42 : vector<1024x128xf32>
    %logistic3A_46 = arith.divf %logistic3A_44, %logistic3A_45 : vector<1024x128xf32>
    %slice3A_47 = vector.extract_strided_slice %add3A_20 {offsets = [0, 256], sizes = [1024, 128], strides = [1, 1]} : vector<1024x384xf32> to vector<1024x128xf32>
    %slice3A_48 = vector.extract_strided_slice %add3A_30 {offsets = [0, 256], sizes = [1024, 128], strides = [1, 1]} : vector<1024x384xf32> to vector<1024x128xf32>
    %mul3A = arith.mulf %logistic3A_37, %slice3A_48 : vector<1024x128xf32>
    %add3A_49 = arith.addf %slice3A_47, %mul3A : vector<1024x128xf32>
    %tanh3A = math.tanh %add3A_49 : vector<1024x128xf32>
    %sub3A = arith.constant 1.000000e+00 : f32
    %sub3A_50 = vector.broadcast %sub3A : f32 to vector<1024x128xf32>
    %sub3A_51 = arith.subf %sub3A_50, %logistic3A_46 : vector<1024x128xf32>
    %mul3A_52 = arith.mulf %sub3A_51, %tanh3A : vector<1024x128xf32>
    %mul3A_53 = arith.mulf %logistic3A_46, %get3A_11 : vector<1024x128xf32>
    %add3A_54 = arith.addf %mul3A_52, %mul3A_53 : vector<1024x128xf32>
    %swap3A = arith.constant 0 : index
    %swap3A_55 = arith.constant 0 : index
    %swap3A_56 = vector.load %arg9[%swap3A, %swap3A_55] : memref<1024x128xf32, #tpu.memory_space<vmem>>, vector<1024x128xf32>
    tpu.vector_store %arg9[%swap3A, %swap3A_55], %add3A_54 {strides = array<i32>} : memref<1024x128xf32, #tpu.memory_space<vmem>>, vector<1024x128xf32>,
    %get3A_57 = arith.constant 0 : index
    %get3A_58 = arith.constant 0 : index
    %get3A_59 = arith.constant 0 : index
    %get3A_60 = vector.load %arg7[%get3A_57, %get3A_58, %get3A_59] : memref<4x128x128xf32, #tpu.memory_space<vmem>>, vector<1x128x128xf32>
    %get3A_61 = vector.shape_cast %get3A_60 : vector<1x128x128xf32> to vector<128x128xf32>
    %dot_general3A_62 = arith.constant dense<0.000000e+00> : vector<1024x128xf32>
    %dot_general3A_63 = tpu.matmul %add3A_54, %get3A_61, %dot_general3A_62 {dimension_numbers = #tpu.dot_dimension_numbers<[1], [0], [0], [1], [0, 0, 1, 1], [], []>, transpose_lhs_hint = false} : vector<1024x128xf32>, vector<128x128xf32>, vector<1024x128xf32> -> vector<1024x128xf32>
    %get3A_64 = arith.constant 0 : index
    %get3A_65 = arith.constant 0 : index
    %get3A_66 = vector.load %arg8[%get3A_64, %get3A_65] : memref<4x128xf32, #tpu.memory_space<vmem>>, vector<1x128xf32>
    %get3A_67 = vector.shape_cast %get3A_66 : vector<1x128xf32> to vector<128xf32>
    %broadcast_in_dim3A = vector.shape_cast %get3A_67 : vector<128xf32> to vector<1x128xf32>
    %add3A_68 = vector.broadcast %broadcast_in_dim3A : vector<1x128xf32> to vector<1024x128xf32>
    %add3A_69 = arith.addf %dot_general3A_63, %add3A_68 : vector<1024x128xf32>
    %swap3A_70 = arith.constant 0 : index
    %swap3A_71 = arith.constant 0 : index
    %swap3A_72 = arith.constant 0 : index
    %swap3A_73 = vector.load %arg10[%swap3A_70, %swap3A_71, %swap3A_72] : memref<4x1024x128xf32, #tpu.memory_space<vmem>>, vector<1x1024x128xf32>
    %swap3A_74 = vector.shape_cast %swap3A_73 : vector<1x1024x128xf32> to vector<1024x128xf32>
    %swap3A_75 = vector.shape_cast %add3A_69 : vector<1024x128xf32> to vector<1x1024x128xf32>
    tpu.vector_store %arg10[%swap3A_70, %swap3A_71, %swap3A_72], %swap3A_75 {strides = array<i32>} : memref<4x1024x128xf32, #tpu.memory_space<vmem>>, vector<1x1024x128xf32>,
    %get3A_76 = arith.constant 1 : index
    %get3A_77 = arith.constant 0 : index
    %get3A_78 = arith.constant 0 : index
    %get3A_79 = vector.load %arg7[%get3A_76, %get3A_77, %get3A_78] : memref<4x128x128xf32, #tpu.memory_space<vmem>>, vector<1x128x128xf32>
    %get3A_80 = vector.shape_cast %get3A_79 : vector<1x128x128xf32> to vector<128x128xf32>
    %dot_general3A_81 = arith.constant dense<0.000000e+00> : vector<1024x128xf32>
    %dot_general3A_82 = tpu.matmul %add3A_54, %get3A_80, %dot_general3A_81 {dimension_numbers = #tpu.dot_dimension_numbers<[1], [0], [0], [1], [0, 0, 1, 1], [], []>, transpose_lhs_hint = false} : vector<1024x128xf32>, vector<128x128xf32>, vector<1024x128xf32> -> vector<1024x128xf32>
    %get3A_83 = arith.constant 1 : index
    %get3A_84 = arith.constant 0 : index
    %get3A_85 = vector.load %arg8[%get3A_83, %get3A_84] : memref<4x128xf32, #tpu.memory_space<vmem>>, vector<1x128xf32>
    %get3A_86 = vector.shape_cast %get3A_85 : vector<1x128xf32> to vector<128xf32>
    %broadcast_in_dim3A_87 = vector.shape_cast %get3A_86 : vector<128xf32> to vector<1x128xf32>
    %add3A_88 = vector.broadcast %broadcast_in_dim3A_87 : vector<1x128xf32> to vector<1024x128xf32>
    %add3A_89 = arith.addf %dot_general3A_82, %add3A_88 : vector<1024x128xf32>
    %swap3A_90 = arith.constant 1 : index
    %swap3A_91 = arith.constant 0 : index
    %swap3A_92 = arith.constant 0 : index
    %swap3A_93 = vector.load %arg10[%swap3A_90, %swap3A_91, %swap3A_92] : memref<4x1024x128xf32, #tpu.memory_space<vmem>>, vector<1x1024x128xf32>
    %swap3A_94 = vector.shape_cast %swap3A_93 : vector<1x1024x128xf32> to vector<1024x128xf32>
    %swap3A_95 = vector.shape_cast %add3A_89 : vector<1024x128xf32> to vector<1x1024x128xf32>
    tpu.vector_store %arg10[%swap3A_90, %swap3A_91, %swap3A_92], %swap3A_95 {strides = array<i32>} : memref<4x1024x128xf32, #tpu.memory_space<vmem>>, vector<1x1024x128xf32>,
    %get3A_96 = arith.constant 2 : index
    %get3A_97 = arith.constant 0 : index
    %get3A_98 = arith.constant 0 : index
    %get3A_99 = vector.load %arg7[%get3A_96, %get3A_97, %get3A_98] : memref<4x128x128xf32, #tpu.memory_space<vmem>>, vector<1x128x128xf32>
    %get3A_100 = vector.shape_cast %get3A_99 : vector<1x128x128xf32> to vector<128x128xf32>
    %dot_general3A_101 = arith.constant dense<0.000000e+00> : vector<1024x128xf32>
    %dot_general3A_102 = tpu.matmul %add3A_54, %get3A_100, %dot_general3A_101 {dimension_numbers = #tpu.dot_dimension_numbers<[1], [0], [0], [1], [0, 0, 1, 1], [], []>, transpose_lhs_hint = false} : vector<1024x128xf32>, vector<128x128xf32>, vector<1024x128xf32> -> vector<1024x128xf32>
    %get3A_103 = arith.constant 2 : index
    %get3A_104 = arith.constant 0 : index
    %get3A_105 = vector.load %arg8[%get3A_103, %get3A_104] : memref<4x128xf32, #tpu.memory_space<vmem>>, vector<1x128xf32>
    %get3A_106 = vector.shape_cast %get3A_105 : vector<1x128xf32> to vector<128xf32>
    %broadcast_in_dim3A_107 = vector.shape_cast %get3A_106 : vector<128xf32> to vector<1x128xf32>
    %add3A_108 = vector.broadcast %broadcast_in_dim3A_107 : vector<1x128xf32> to vector<1024x128xf32>
    %add3A_109 = arith.addf %dot_general3A_102, %add3A_108 : vector<1024x128xf32>
    %swap3A_110 = arith.constant 2 : index
    %swap3A_111 = arith.constant 0 : index
    %swap3A_112 = arith.constant 0 : index
    %swap3A_113 = vector.load %arg10[%swap3A_110, %swap3A_111, %swap3A_112] : memref<4x1024x128xf32, #tpu.memory_space<vmem>>, vector<1x1024x128xf32>
    %swap3A_114 = vector.shape_cast %swap3A_113 : vector<1x1024x128xf32> to vector<1024x128xf32>
    %swap3A_115 = vector.shape_cast %add3A_109 : vector<1024x128xf32> to vector<1x1024x128xf32>
    tpu.vector_store %arg10[%swap3A_110, %swap3A_111, %swap3A_112], %swap3A_115 {strides = array<i32>} : memref<4x1024x128xf32, #tpu.memory_space<vmem>>, vector<1x1024x128xf32>,
    %get3A_116 = arith.constant 3 : index
    %get3A_117 = arith.constant 0 : index
    %get3A_118 = arith.constant 0 : index
    %get3A_119 = vector.load %arg7[%get3A_116, %get3A_117, %get3A_118] : memref<4x128x128xf32, #tpu.memory_space<vmem>>, vector<1x128x128xf32>
    %get3A_120 = vector.shape_cast %get3A_119 : vector<1x128x128xf32> to vector<128x128xf32>
    %dot_general3A_121 = arith.constant dense<0.000000e+00> : vector<1024x128xf32>
    %dot_general3A_122 = tpu.matmul %add3A_54, %get3A_120, %dot_general3A_121 {dimension_numbers = #tpu.dot_dimension_numbers<[1], [0], [0], [1], [0, 0, 1, 1], [], []>, transpose_lhs_hint = false} : vector<1024x128xf32>, vector<128x128xf32>, vector<1024x128xf32> -> vector<1024x128xf32>
    %get3A_123 = arith.constant 3 : index
    %get3A_124 = arith.constant 0 : index
    %get3A_125 = vector.load %arg8[%get3A_123, %get3A_124] : memref<4x128xf32, #tpu.memory_space<vmem>>, vector<1x128xf32>
    %get3A_126 = vector.shape_cast %get3A_125 : vector<1x128xf32> to vector<128xf32>
    %broadcast_in_dim3A_127 = vector.shape_cast %get3A_126 : vector<128xf32> to vector<1x128xf32>
    %add3A_128 = vector.broadcast %broadcast_in_dim3A_127 : vector<1x128xf32> to vector<1024x128xf32>
    %add3A_129 = arith.addf %dot_general3A_122, %add3A_128 : vector<1024x128xf32>
    %swap3A_130 = arith.constant 3 : index
    %swap3A_131 = arith.constant 0 : index
    %swap3A_132 = arith.constant 0 : index
    %swap3A_133 = vector.load %arg10[%swap3A_130, %swap3A_131, %swap3A_132] : memref<4x1024x128xf32, #tpu.memory_space<vmem>>, vector<1x1024x128xf32>
    %swap3A_134 = vector.shape_cast %swap3A_133 : vector<1x1024x128xf32> to vector<1024x128xf32>
    %swap3A_135 = vector.shape_cast %add3A_129 : vector<1024x128xf32> to vector<1x1024x128xf32>
    tpu.vector_store %arg10[%swap3A_130, %swap3A_131, %swap3A_132], %swap3A_135 {strides = array<i32>} : memref<4x1024x128xf32, #tpu.memory_space<vmem>>, vector<1x1024x128xf32>,
    return
  }
  func.func @transform_0(%arg0: i32) -> (i32, i32, i32) {
    %c0_i32 = arith.constant 0 : i32
    %c0_i32_0 = arith.constant 0 : i32
    %c0_i32_1 = arith.constant 0 : i32
    return %c0_i32, %arg0, %c0_i32_0 : i32, i32, i32
  }
  func.func @transform_1(%arg0: i32) -> (i32, i32) {
    %c0_i32 = arith.constant 0 : i32
    %c0_i32_0 = arith.constant 0 : i32
    return %arg0, %c0_i32 : i32, i32
  }
  func.func @transform_2(%arg0: i32) -> (i32, i32) {
    %c0_i32 = arith.constant 0 : i32
    %c0_i32_0 = arith.constant 0 : i32
    %c0_i32_1 = arith.constant 0 : i32
    return %c0_i32, %c0_i32_0 : i32, i32
  }
  func.func @transform_3(%arg0: i32) -> (i32, i32) {
    %c0_i32 = arith.constant 0 : i32
    %c0_i32_0 = arith.constant 0 : i32
    %c0_i32_1 = arith.constant 0 : i32
    return %c0_i32, %c0_i32_0 : i32, i32
  }
  func.func @transform_4(%arg0: i32) -> (i32, i32) {
    %c0_i32 = arith.constant 0 : i32
    %c0_i32_0 = arith.constant 0 : i32
    %c0_i32_1 = arith.constant 0 : i32
    return %c0_i32, %c0_i32_0 : i32, i32
  }
  func.func @transform_5(%arg0: i32) -> (i32, i32) {
    %c0_i32 = arith.constant 0 : i32
    %c0_i32_0 = arith.constant 0 : i32
    %c0_i32_1 = arith.constant 0 : i32
    return %c0_i32, %c0_i32_0 : i32, i32
  }
  func.func @transform_6(%arg0: i32) -> (i32, i32, i32) {
    %c0_i32 = arith.constant 0 : i32
    %c0_i32_0 = arith.constant 0 : i32
    %c0_i32_1 = arith.constant 0 : i32
    %c0_i32_2 = arith.constant 0 : i32
    return %c0_i32, %c0_i32_0, %c0_i32_1 : i32, i32, i32
  }
  func.func @transform_7(%arg0: i32) -> (i32, i32) {
    %c0_i32 = arith.constant 0 : i32
    %c0_i32_0 = arith.constant 0 : i32
    %c0_i32_1 = arith.constant 0 : i32
    return %c0_i32, %c0_i32_0 : i32, i32
  }
  func.func @transform_8(%arg0: i32) -> (i32, i32) {
    %c0_i32 = arith.constant 0 : i32
    %c0_i32_0 = arith.constant 0 : i32
    return %arg0, %c0_i32 : i32, i32
  }
  func.func @transform_9(%arg0: i32) -> (i32, i32, i32) {
    %c0_i32 = arith.constant 0 : i32
    %c0_i32_0 = arith.constant 0 : i32
    %c0_i32_1 = arith.constant 0 : i32
    return %c0_i32, %arg0, %c0_i32_0 : i32, i32, i32
  }
}

module attributes {stable_mosaic.version = 14 : i64} {
  func.func @_gru_body(%arg0: i32, %arg1: memref<2x1024x128xf32, #tpu.memory_space<vmem>>, %arg2: memref<1024x128xf32, #tpu.memory_space<vmem>>, %arg3: memref<128x384xf32, #tpu.memory_space<vmem>>, %arg4: memref<128x384xf32, #tpu.memory_space<vmem>>, %arg5: memref<1x384xf32, #tpu.memory_space<vmem>>, %arg6: memref<1x384xf32, #tpu.memory_space<vmem>>, %arg7: memref<1024x128xf32, #tpu.memory_space<vmem>>) attributes {dimension_semantics = [#tpu.dimension_semantics<arbitrary>], iteration_bounds = array<i64: 10>, scalar_prefetch = 0 : i64, scratch_operands = 0 : i64, tpu.core_type = #tpu.core_type<tc>, window_params = [{transform_indices = @transform_0, window_bounds = array<i64: 2, 1024, 128>}, {transform_indices = @transform_1, window_bounds = array<i64: 1024, 128>}, {pipeline_mode = #tpu.pipeline_mode<synchronous>, transform_indices = @transform_2, window_bounds = array<i64: 128, 384>}, {pipeline_mode = #tpu.pipeline_mode<synchronous>, transform_indices = @transform_3, window_bounds = array<i64: 128, 384>}, {pipeline_mode = #tpu.pipeline_mode<synchronous>, transform_indices = @transform_4, window_bounds = array<i64: 1, 384>}, {pipeline_mode = #tpu.pipeline_mode<synchronous>, transform_indices = @transform_5, window_bounds = array<i64: 1, 384>}, {transform_indices = @transform_6, window_bounds = array<i64: 1024, 128>}]} {
    %get3A = arith.constant 0 : index
    %get3A_0 = arith.constant 0 : index
    %get3A_1 = arith.constant 0 : index
    %get3A_2 = vector.load %arg1[%get3A, %get3A_0, %get3A_1] : memref<2x1024x128xf32, #tpu.memory_space<vmem>>, vector<1x1024x128xf32>
    %get3A_3 = vector.shape_cast %get3A_2 : vector<1x1024x128xf32> to vector<1024x128xf32>
    %get3A_4 = arith.constant 1 : index
    %get3A_5 = arith.constant 0 : index
    %get3A_6 = arith.constant 0 : index
    %get3A_7 = vector.load %arg1[%get3A_4, %get3A_5, %get3A_6] : memref<2x1024x128xf32, #tpu.memory_space<vmem>>, vector<1x1024x128xf32>
    %get3A_8 = vector.shape_cast %get3A_7 : vector<1x1024x128xf32> to vector<1024x128xf32>
    %add3A = arith.addf %get3A_3, %get3A_8 : vector<1024x128xf32>
    %get3A_9 = arith.constant 0 : index
    %get3A_10 = arith.constant 0 : index
    %get3A_11 = vector.load %arg2[%get3A_9, %get3A_10] : memref<1024x128xf32, #tpu.memory_space<vmem>>, vector<1024x128xf32>
    %get3A_12 = arith.constant 0 : index
    %get3A_13 = arith.constant 0 : index
    %get3A_14 = vector.load %arg3[%get3A_12, %get3A_13] : memref<128x384xf32, #tpu.memory_space<vmem>>, vector<128x384xf32>
    %dot_general3A = arith.constant dense<0.000000e+00> : vector<1024x384xf32>
    %dot_general3A_15 = tpu.matmul %add3A, %get3A_14, %dot_general3A {dimension_numbers = #tpu.dot_dimension_numbers<[1], [0], [0], [1], [0, 0, 1, 1], [], []>, transpose_lhs_hint = false} : vector<1024x128xf32>, vector<128x384xf32>, vector<1024x384xf32> -> vector<1024x384xf32>
    %get3A_16 = arith.constant 0 : index
    %get3A_17 = arith.constant 0 : index
    %get3A_18 = vector.load %arg5[%get3A_16, %get3A_17] : memref<1x384xf32, #tpu.memory_space<vmem>>, vector<1x384xf32>
    %add3A_19 = vector.broadcast %get3A_18 : vector<1x384xf32> to vector<1024x384xf32>
    %add3A_20 = arith.addf %dot_general3A_15, %add3A_19 : vector<1024x384xf32>
    %get3A_21 = arith.constant 0 : index
    %get3A_22 = arith.constant 0 : index
    %get3A_23 = vector.load %arg4[%get3A_21, %get3A_22] : memref<128x384xf32, #tpu.memory_space<vmem>>, vector<128x384xf32>
    %dot_general3A_24 = arith.constant dense<0.000000e+00> : vector<1024x384xf32>
    %dot_general3A_25 = tpu.matmul %get3A_11, %get3A_23, %dot_general3A_24 {dimension_numbers = #tpu.dot_dimension_numbers<[1], [0], [0], [1], [0, 0, 1, 1], [], []>, transpose_lhs_hint = false} : vector<1024x128xf32>, vector<128x384xf32>, vector<1024x384xf32> -> vector<1024x384xf32>
    %get3A_26 = arith.constant 0 : index
    %get3A_27 = arith.constant 0 : index
    %get3A_28 = vector.load %arg6[%get3A_26, %get3A_27] : memref<1x384xf32, #tpu.memory_space<vmem>>, vector<1x384xf32>
    %add3A_29 = vector.broadcast %get3A_28 : vector<1x384xf32> to vector<1024x384xf32>
    %add3A_30 = arith.addf %dot_general3A_25, %add3A_29 : vector<1024x384xf32>
    %slice3A = vector.extract_strided_slice %add3A_20 {offsets = [0, 0], sizes = [1024, 128], strides = [1, 1]} : vector<1024x384xf32> to vector<1024x128xf32>
    %slice3A_31 = vector.extract_strided_slice %add3A_30 {offsets = [0, 0], sizes = [1024, 128], strides = [1, 1]} : vector<1024x384xf32> to vector<1024x128xf32>
    %add3A_32 = arith.addf %slice3A, %slice3A_31 : vector<1024x128xf32>
    %logistic3A = arith.negf %add3A_32 : vector<1024x128xf32>
    %logistic3A_33 = math.exp %logistic3A : vector<1024x128xf32>
    %logistic3A_34 = arith.constant 1.000000e+00 : f32
    %logistic3A_35 = vector.broadcast %logistic3A_34 : f32 to vector<1024x128xf32>
    %logistic3A_36 = arith.addf %logistic3A_35, %logistic3A_33 : vector<1024x128xf32>
    %logistic3A_37 = arith.divf %logistic3A_35, %logistic3A_36 : vector<1024x128xf32>
    %slice3A_38 = vector.extract_strided_slice %add3A_20 {offsets = [0, 128], sizes = [1024, 128], strides = [1, 1]} : vector<1024x384xf32> to vector<1024x128xf32>
    %slice3A_39 = vector.extract_strided_slice %add3A_30 {offsets = [0, 128], sizes = [1024, 128], strides = [1, 1]} : vector<1024x384xf32> to vector<1024x128xf32>
    %add3A_40 = arith.addf %slice3A_38, %slice3A_39 : vector<1024x128xf32>
    %logistic3A_41 = arith.negf %add3A_40 : vector<1024x128xf32>
    %logistic3A_42 = math.exp %logistic3A_41 : vector<1024x128xf32>
    %logistic3A_43 = arith.constant 1.000000e+00 : f32
    %logistic3A_44 = vector.broadcast %logistic3A_43 : f32 to vector<1024x128xf32>
    %logistic3A_45 = arith.addf %logistic3A_44, %logistic3A_42 : vector<1024x128xf32>
    %logistic3A_46 = arith.divf %logistic3A_44, %logistic3A_45 : vector<1024x128xf32>
    %slice3A_47 = vector.extract_strided_slice %add3A_20 {offsets = [0, 256], sizes = [1024, 128], strides = [1, 1]} : vector<1024x384xf32> to vector<1024x128xf32>
    %slice3A_48 = vector.extract_strided_slice %add3A_30 {offsets = [0, 256], sizes = [1024, 128], strides = [1, 1]} : vector<1024x384xf32> to vector<1024x128xf32>
    %mul3A = arith.mulf %logistic3A_37, %slice3A_48 : vector<1024x128xf32>
    %add3A_49 = arith.addf %slice3A_47, %mul3A : vector<1024x128xf32>
    %tanh3A = math.tanh %add3A_49 : vector<1024x128xf32>
    %sub3A = arith.constant 1.000000e+00 : f32
    %sub3A_50 = vector.broadcast %sub3A : f32 to vector<1024x128xf32>
    %sub3A_51 = arith.subf %sub3A_50, %logistic3A_46 : vector<1024x128xf32>
    %mul3A_52 = arith.mulf %sub3A_51, %tanh3A : vector<1024x128xf32>
    %mul3A_53 = arith.mulf %logistic3A_46, %get3A_11 : vector<1024x128xf32>
    %add3A_54 = arith.addf %mul3A_52, %mul3A_53 : vector<1024x128xf32>
    %swap3A = arith.constant 0 : index
    %swap3A_55 = arith.constant 0 : index
    %swap3A_56 = vector.load %arg7[%swap3A, %swap3A_55] : memref<1024x128xf32, #tpu.memory_space<vmem>>, vector<1024x128xf32>
    tpu.vector_store %arg7[%swap3A, %swap3A_55], %add3A_54 {strides = array<i32>} : memref<1024x128xf32, #tpu.memory_space<vmem>>, vector<1024x128xf32>,
    return
  }
  func.func @transform_0(%arg0: i32) -> (i32, i32, i32) {
    %c0_i32 = arith.constant 0 : i32
    %c0_i32_0 = arith.constant 0 : i32
    %c0_i32_1 = arith.constant 0 : i32
    return %c0_i32, %arg0, %c0_i32_0 : i32, i32, i32
  }
  func.func @transform_1(%arg0: i32) -> (i32, i32) {
    %c0_i32 = arith.constant 0 : i32
    %c0_i32_0 = arith.constant 0 : i32
    return %arg0, %c0_i32 : i32, i32
  }
  func.func @transform_2(%arg0: i32) -> (i32, i32) {
    %c0_i32 = arith.constant 0 : i32
    %c0_i32_0 = arith.constant 0 : i32
    %c0_i32_1 = arith.constant 0 : i32
    return %c0_i32, %c0_i32_0 : i32, i32
  }
  func.func @transform_3(%arg0: i32) -> (i32, i32) {
    %c0_i32 = arith.constant 0 : i32
    %c0_i32_0 = arith.constant 0 : i32
    %c0_i32_1 = arith.constant 0 : i32
    return %c0_i32, %c0_i32_0 : i32, i32
  }
  func.func @transform_4(%arg0: i32) -> (i32, i32) {
    %c0_i32 = arith.constant 0 : i32
    %c0_i32_0 = arith.constant 0 : i32
    %c0_i32_1 = arith.constant 0 : i32
    return %c0_i32, %c0_i32_0 : i32, i32
  }
  func.func @transform_5(%arg0: i32) -> (i32, i32) {
    %c0_i32 = arith.constant 0 : i32
    %c0_i32_0 = arith.constant 0 : i32
    %c0_i32_1 = arith.constant 0 : i32
    return %c0_i32, %c0_i32_0 : i32, i32
  }
  func.func @transform_6(%arg0: i32) -> (i32, i32) {
    %c0_i32 = arith.constant 0 : i32
    %c0_i32_0 = arith.constant 0 : i32
    return %arg0, %c0_i32 : i32, i32
  }
}

</mosaic_0001>

<sc_bundles>
// kernel: kernel.11.cloned.1.call-start
scs
__scs_entry_jumppad:
0x0: {  	(pc) =	sbr.rel $0x88, $3  }
0x1: {  	(tag) =	ssettag $0x0;
	lr =	simm.s32 $0x1  }
0x2: {  	[smem:$0x3F98] =	sst lr;
	_ =	strace $0xD0000000  }
0x3: {  	_ = 	snop  }
0x4: {  	_ = 	snop  }
0x5: {  	_ = 	snop  }
0x6: {  	_ = 	snop  }
0x7: {  	_ = 	snop  }
__scs_overlays_trampoline_lowered:
0x8: {  	[smem:$0x3FA7] =	sst s0  }
0x9: {  	[smem:$0x3FA8] =	sst s1  }
0xa: {  	[smem:$0x3FA9] =	sst s2  }
0xb: {  	[smem:$0x3FAA] =	sst s3  }
0xc: {  	[smem:$0x3FAB] =	sst s4  }
0xd: {  	[smem:$0x3FAC] =	sst s5  }
0xe: {  	[smem:$0x3FAD] =	sst s6  }
0xf: {  	[smem:$0x3FAE] =	sst s7  }
0x10: {  	[smem:$0x3FAF] =	sst s8  }
0x11: {  	[smem:$0x3FB0] =	sst s9;
	s0 =	simm.s32 @!p0 $0x0  }
0x12: {  	s1 =	sld [smem:$0x3F96];
	s0 =	simm.s32 @p0 $0x1  }
0x13: {  	[smem:$0x3FB1] =	sst s0;
	s0 =	simm.s32 @!p1 $0x0  }
0x14: {  	s2 =	sld [smem:$0x3F95];
	s0 =	simm.s32 @p1 $0x1  }
0x15: {  	[smem:$0x3FB2] =	sst s0;
	s0 =	simm.s32 @!p2 $0x0  }
0x16: {  	s3 =	sld [smem:$0x3FDB];
	s0 =	simm.s32 @p2 $0x1  }
0x17: {  	s4 =	simm.s32 $0x1BF5;
	[smem:$0x3FB4] =	sst s0  }
0x18: {  	s0 =	sld [smem:$0x3F97];
	_ =	swait.ge [sflag:s4], $0x0  }
0x19: {  	s7 =	sld [smem:$0x3F98]  }
0x1a: {  	s8 =	sadd.s32 $0xFFFFE003, lr  }
0x1b: {  	s9 =	sadd.s32 $0xFFFFFEF7, lr;
	s5 =	simm.s32 $0xFFFFFFFF;
	p2 =	slt.u32 s8, $0xFFFFF086  }
0x1c: {  	p1 =	slt.u32 s9, $0xF7A;
	s5 =	simm.s32 @!p2 $0x0  }
0x1d: {  	s5 =	simm.s32 @p1 $0x1;
	p0 =	seq.s32 s7, s2  }
0x1e: {  	s7 =	smul.u32 @!p0 $0xF7A, s2;
	p2 =	seq.s32 @!p0 s5, $0x0  }
0x1f: {  	s9 =	smul.u32 $0xF7A, s1;
	s8 =	simm.s32 @!p0 $0x1BF5;
	p2 =	por !p2, p0  }
0x20: {  	[sflag:s8] =	ssyncset.s32 @!p0 $0xFFFFF086;
	s6 =	sadd.s32 @!p0 s3, s7;
	s7 =	simm.s32 @!p0 $0x108  }
0x21: {  	s3 =	sadd.s32 s3, s9;
	s6 =	sadd.s32 @!p0 $0x88, s6;
	s7 =	simm.s32 @p2 $0x1082  }
0x22: {  	[simem:s7], [sflag:s8] =	dma.local @!p0 [hbm:s6], $0xF7A  }
0x23: {  	s9 =	sor.u32 $0xD0000000, s2;
	s6 =	simm.s32 $0x108;
	_ =	swait.ge @!p0 [sflag:s8], $0x0  }
0x24: {  	s3 =	sadd.s32 $0x88, s3;
	s6 =	simm.s32 @!p1 $0x1082;
	[sflag:s4] =	ssyncset.s32 $0xFFFFF086  }
0x25: {  	[simem:s6], [sflag:s4] =	dma.local [hbm:s3], $0xF7A  }
0x26: {  	[smem:$0x3F98] =	sst s1;
	(tag) =	ssettag s2;
	_ =	strace s9  }
0x27: {  	s1 =	sld [smem:$0x3FA8]  }
0x28: {  	s2 =	sld [smem:$0x3FA9]  }
0x29: {  	s4 =	sld [smem:$0x3FAB]  }
0x2a: {  	p0 =	seq.s32 s5, $0x0;
	s5 =	sld [smem:$0x3FAC]  }
0x2b: {  	s6 =	sld [smem:$0x3FAD]  }
0x2c: {  	s7 =	sld [smem:$0x3FAE]  }
0x2d: {  	s3 =	simm.s32 $0x108;
	s8 =	sld [smem:$0x3FAF]  }
0x2e: {  	s3 =	simm.s32 @!p0 $0x1082;
	s9 =	sld [smem:$0x3FB0]  }
0x2f: {  	lr =	sadd.s32 s0, s3;
	s0 =	sld [smem:$0x3FA7]  }
0x30: {  	s3 =	sld [smem:$0x3FAA]  }
0x31: {  	[smem:$0x3FB3] =	sst s10  }
0x32: {  	s10 =	sld [smem:$0x3FB1];
	_ =	sdelay $0x3  }
0x33: {  	p0 =	seq.s32 s10, $0x1;
	s10 =	sld [smem:$0x3FB3];
	_ =	sdelay $0x3  }
0x34: {  	[smem:$0x3FB3] =	sst s10  }
0x35: {  	s10 =	sld [smem:$0x3FB2];
	_ =	sdelay $0x3  }
0x36: {  	p1 =	seq.s32 s10, $0x1;
	s10 =	sld [smem:$0x3FB3];
	_ =	sdelay $0x3  }
0x37: {  	[smem:$0x3FB3] =	sst s10  }
0x38: {  	s10 =	sld [smem:$0x3FB4]  }
0x39: {  	_ = 	snop;
	(pc) =	sbr.ind lr, $3  }
0x3a: {  	_ = 	snop  }
0x3b: {  	_ = 	snop  }
0x3c: {  	p2 =	seq.s32 s10, $0x1;
	s10 =	sld [smem:$0x3FB3]  }
0x3d: {  	_ =	shalt  }
0x3e: {  	_ =	shalt  }
0x3f: {  	_ =	shalt  }
0x40: {  	_ =	shalt  }
0x41: {  	_ =	shalt  }
0x42: {  	_ =	shalt  }
0x43: {  	_ =	shalt  }
0x44: {  	_ =	shalt  }
0x45: {  	_ =	shalt  }
0x46: {  	_ =	shalt  }
0x47: {  	_ =	shalt  }
0x48: {  	_ =	shalt  }
0x49: {  	_ =	shalt  }
0x4a: {  	_ =	shalt  }
0x4b: {  	_ =	shalt  }
0x4c: {  	_ =	shalt  }
0x4d: {  	_ =	shalt  }
0x4e: {  	_ =	shalt  }
0x4f: {  	_ =	shalt  }
0x50: {  	_ =	shalt  }
0x51: {  	_ =	shalt  }
0x52: {  	_ =	shalt  }
0x53: {  	_ =	shalt  }
0x54: {  	_ =	shalt  }
0x55: {  	_ =	shalt  }
0x56: {  	_ =	shalt  }
0x57: {  	_ =	shalt  }
0x58: {  	_ =	shalt  }
0x59: {  	_ =	shalt  }
0x5a: {  	_ =	shalt  }
0x5b: {  	_ =	shalt  }
0x5c: {  	_ =	shalt  }
0x5d: {  	_ =	shalt  }
0x5e: {  	_ =	shalt  }
0x5f: {  	_ =	shalt  }
0x60: {  	_ =	shalt  }
0x61: {  	_ =	shalt  }
0x62: {  	_ =	shalt  }
0x63: {  	_ =	shalt  }
0x64: {  	_ =	shalt  }
0x65: {  	_ =	shalt  }
0x66: {  	_ =	shalt  }
0x67: {  	_ =	shalt  }
0x68: {  	_ =	shalt  }
0x69: {  	_ =	shalt  }
0x6a: {  	_ =	shalt  }
0x6b: {  	_ =	shalt  }
0x6c: {  	_ =	shalt  }
0x6d: {  	_ =	shalt  }
0x6e: {  	_ =	shalt  }
0x6f: {  	_ =	shalt  }
0x70: {  	_ =	shalt  }
0x71: {  	_ =	shalt  }
0x72: {  	_ =	shalt  }
0x73: {  	_ =	shalt  }
0x74: {  	_ =	shalt  }
0x75: {  	_ =	shalt  }
0x76: {  	_ =	shalt  }
0x77: {  	_ =	shalt  }
0x78: {  	_ =	shalt  }
0x79: {  	_ =	shalt  }
0x7a: {  	_ =	shalt  }
0x7b: {  	_ =	shalt  }
0x7c: {  	_ =	shalt  }
0x7d: {  	_ =	shalt  }
0x7e: {  	_ =	shalt  }
0x7f: {  	_ =	shalt  }
0x80: {  	_ =	shalt  }
0x81: {  	_ =	shalt  }
0x82: {  	_ =	shalt  }
0x83: {  	_ =	shalt  }
0x84: {  	_ =	shalt  }
0x85: {  	_ =	shalt  }
0x86: {  	_ =	shalt  }
0x87: {  	_ =	shalt  }
.Lfunc_end0:
.L_simem_size_0:
called_computation.1_lowered:
.L_overlay_start_0:
0x88: {  	s2 =	sld [smem:$0x3FD9]  }
0x89: {  	s3 =	sld [smem:$0x3FFE];
	_ =	sdelay $0x1  }
0x8a: {  	s1 =	srdreg.scid  }
0x8b: {  	s0 =	sand.u32 $0x1, s1  }
0x8c: {  	s17 =	sshll.u32 s0, $0xA;
	s2 =	sadd.s32 s3, s2  }
0x8d: {  	s2 =	sadd.s32 s2, s17  }
0x8e: {  	[smem:$0x3FBF] =	sst s2  }
0x8f: {  	_ = 	snop  }
0x90: {  	s2 =	sld [smem:$0x3FD0];
	(tm) =	ssettm $0x1  }
0x91: {  	s18 =	sld [smem:$0x3FFB];
	_ =	sdelay $0x3  }
0x92: {  	_ =	strace s18  }
0x93: {  	s3 =	sld [smem:$0x3FFC];
	_ =	sdelay $0x3  }
0x94: {  	_ =	strace s3  }
0x95: {  	s3 =	sld [smem:$0x3FFD];
	_ =	sdelay $0x3  }
0x96: {  	_ =	strace s3  }
0x97: {  	_ =	strace $0x8FFFFFFF  }
0x98: {  	s19 =	sld [smem:$0x3FDB];
	_ =	sdelay $0x1  }
0x99: {  	s4 =	simm.s32 $_scs_section_size  }
0x9a: {  	s5 =	simm.s32 $_size__tile_overlayer_lowered;
	s6 =	simm.s32 $_tile_overlayer_lowered  }
0x9b: {  	s22 =	simm.s32 $0x1BFF;
	s21 =	sshll.u32 s6, $0x1;
	s3 =	sadd.s32 s4, s19  }
0x9c: {  	s7 =	simm.s32 $0x0;
	s20 =	sshll.u32 s5, $0x1;
	s5 =	sadd.s32 s21, s3  }
0x9d: {  	[timem:s7], [sflag:s22] =	dma.local [hbm:s5], s20  }
0x9e: {  	_ =	swait.ge [sflag:s22], s20  }
0x9f: {  	s4 =	ssub.s32 $0x0, s20;
	[sflag:s22] =	ssyncset.done $0x0  }
0xa0: {  	[sflag:s22] =	ssyncadd.s32 s4;
	_ =	sdelay $0x1  }
0xa1: {  	s23 =	simm.s32 $0x1B8B  }
0xa2: {  	_ =	swait.ge [sflag:s23], $0x1  }
0xa3: {  	[sflag:s23] =	ssyncset.done $0x0  }
0xa4: {  	s25 =	simm.s32 $0x1B8E;
	s24 =	sld [smem:$0x3FFE];
	[sflag:s23] =	ssyncadd.s32 $0xFFFFFFFF  }
0xa5: {  	s26 =	simm.s32 $execute0_lowered;
	[smem:$0x3FD2] =	sst s25  }
0xa6: {  	s5 =	sshll.u32 s26, $0x1;
	_ =	strace $0x80000049;
	[dreg:$0x1] =	wrdreg $0xFFFFFFFF  }
0xa7: {  	s28 =	simm.s32 $_size_execute0_lowered;
	s3 =	sadd.s32 s3, s5;
	[dreg:$0x0] =	wrdreg $0x0  }
0xa8: {  	s5 =	sshll.u32 s28, $0x1;
	[dreg:$0x2] =	wrdreg s3  }
0xa9: {  	[dreg:$0x3] =	wrdreg s5  }
0xaa: {  	[dreg:$0x4] =	wrdreg $0xC0  }
0xab: {  	_ =	task [dreg:s7], $0x5FFFF  }
0xac: {  	[dreg:$0x1] =	wrdreg $0xFFFFFFFF  }
0xad: {  	[dreg:$0x0] =	wrdreg $0x60  }
0xae: {  	[dreg:$0x2] =	wrdreg s24  }
0xaf: {  	[dreg:$0x3] =	wrdreg s2  }
0xb0: {  	[dreg:$0x4] =	wrdreg $0xB7800  }
0xb1: {  	[dreg:$0x5] =	wrdreg $0x9  }
0xb2: {  	_ =	task.clear_ibuf [dreg:s7], $0x6FFFF;
	_ =	strace $0x90000049  }
0xb3: {  	s29 =	simm.s32 $0x9;
	_ =	strace $0x8000004B  }
0xb4: {  	_ =	swait.ge [sflag:s29], $0x1  }
0xb5: {  	[sflag:s29] =	ssyncadd.s32 $0xFFFFFFFF  }
0xb6: {  	_ =	strace $0x9000004B  }
0xb7: {  	_ =	sfence  }
0xb8: {  	s30 =	sld [smem:$0x0];
	_ =	sdelay $0x2  }
0xb9: {  	s31 =	sshll.u32 s1, $0xD;
	s1 =	sshrl.u32 s1, $0x2  }
0xba: {  	s3 =	sand.u32 $0x4000, s31;
	s1 =	sadd.s32 s1, s30  }
0xbb: {  	s0 =	sor.u32 s3, s0;
	s1 =	sshll.u32 s1, $0x11  }
0xbc: {  	s0 =	sor.u32 s1, s0  }
0xbd: {  	s0 =	sadd.s32 $0x8F2B, s0  }
0xbe: {  	[sflag:s0] =	ssyncadd.remote.s32 $0x1  }
0xbf: {  	_ =	sfence.sel $0xFFFF  }
0xc0: {  	[dreg:$0x0] =	wrdreg $0xFFFFFFFF;
	(pc) =	sbr.abs _section_cstart, $3  }
0xc1: {  	[dreg:$0x1] =	wrdreg $0xFFFFFFFF  }
0xc2: {  	_ =	task.clear_ibuf [dreg:s7], $0x2FFFF;
	_ =	strace $0x9FFFFFFF  }
0xc3: {  	(tm) =	ssettm $0x7FFFFFFF  }
tec
execute0_lowered:
.L_overlay_start_1:
0x0: {  	(tag) =	ssettag $0x1  }
0x1: {  	s0 =	rddreg [dreg:$0x0]  }
0x2: {  	s1 =	rddreg [dreg:$0x1];
	s3 =	srdreg.scid  }
0x3: {  	s10 =	stileid.u32;
	s2 =	rddreg [dreg:$0x2]  }
0x4: {  	s19 =	simm.s32 $0x8F80;
	s31 =	simm.s32 $0x0;
	s8 =	smul.u32 $0x2800, s10  }
0x5: {  	s5 =	sand.u32 $0x1, s3;
	s4 =	sshll.u32 s10, $0x1;
	s13 =	smul.u32 $0x280, s10  }
0x6: {  	s3 =	simm.s32 $0x0;
	s10 =	smul.u32 $0x50000, s10;
	s6 =	sor.u32 s5, s4  }
0x7: {  	[smem:$0x7FF] =	sst s3;
	s4 =	sadd.s32 $0xBA00, s0;
	s14 =	smul.u32 $0x2800, s5  }
0x8: {  	s9 =	ssub.s32 $0x2, s5;
	s7 =	smul.u32 $0x4E2, s6;
	_ =	strace $0x8000004A  }
0x9: {  	s8 =	sadd.s32 s8, s0;
	s11 =	sshrl.u32 s9, $0x1;
	s6 =	sshll.u32 s6, $0xB  }
0xa: {  	s20 =	sshrl.u32 s10, $0x2;
	s23 =	sadd.s32 $0x80, s13;
	s12 =	sadd.s32 $0x100, s13  }
0xb: {  	s28 =	sadd.s32 $0x180, s13;
	s17 =	sadd.s32 $0x200, s13;
	s11 =	ssub.s32 s9, s11  }
0xc: {  	s6 =	sadd.s32 s1, s6;
	s21 =	sadd.s32 s14, s13;
	s8 =	sadd.s32 $0xABA00, s8  }
0xd: {  	s24 =	sshll.u32 s23, $0x7;
	s1 =	sadd.s32 s14, s23;
	s15 =	sadd.s32 s14, s12  }
0xe: {  	s25 =	sshll.u32 s12, $0x7;
	s16 =	sshll.u32 s28, $0x7;
	s30 =	sshll.u32 s17, $0x7  }
0xf: {  	s7 =	sadd.s32 s7, s0;
	s0 =	sadd.s32 $0xD3A00, s0;
	s22 =	sshll.u32 s21, $0x4  }
0x10: {  	s10 =	smax.u32 s11, $0x1;
	s18 =	sadd.s32 s24, s2;
	s1 =	sshll.u32 s1, $0x4  }
0x11: {  	s26 =	sshll.u32 s15, $0x4;
	s15 =	sadd.s32 s14, s28;
	s24 =	sadd.s32 s16, s2  }
0x12: {  	s14 =	sadd.s32 s14, s17;
	s16 =	simm.s32 $0x50;
	s17 =	simm.s32 $0x6780  }
0x13: {  	s21 =	simm.s32 $0x2;
	s5 =	sadd.s32 $0x1C00, s7;
	s7 =	sadd.s32 s20, s2  }
0x14: {  	s9 =	sadd.s32 s0, s22;
	s11 =	sadd.s32 s0, s1;
	s1 =	sadd.s32 s25, s2  }
0x15: {  	s12 =	sadd.s32 s0, s26;
	s29 =	sshll.u32 s15, $0x4;
	s14 =	sshll.u32 s14, $0x4  }
0x16: {  	s25 =	sadd.s32 s30, s2;
	s15 =	simm.s32 $0x3;
	s20 =	simm.s32 $0x1  }
0x17: {  	s22 =	sshrl.u32 s18, $0x3;
	s24 =	sshrl.u32 s24, $0x3;
	s13 =	sadd.s32 s0, s29  }
0x18: {  	s14 =	sadd.s32 s0, s14;
	s23 =	sshrl.u32 s1, $0x3;
	s25 =	sshrl.u32 s25, $0x3  }
.LBB2_1:
0x19: {  	[tilespmem:s3], [sflag:$0x3] =	stream.linear.gather [hbm4b:s5+s3], $0x2710, $0x38;
	[tilespmem:$0x1F780] =	vst v63  }
0x1a: {  	_ =	swait.ge [sflag:s15], $0x2710  }
0x1b: {  	[sflag:s15] =	ssyncset.done $0x0  }
0x1c: {  	[sflag:s15] =	ssyncadd.s32 $0xFFFFD8F0  }
0x1d: {  	[tilespmem:s17], [sflag:$0x1] =	stream.indirect.gather [hbm4b:s4+s16], $0x80, s3, s16, $0xb8;
	[tilespmem:$0x1F780] =	vst v63  }
0x1e: {  	s0 =	simm.s32 $0x2780  }
0x1f: {  	[tilespmem:s0], [sflag:$0x3] =	stream.linear.gather [hbm4b:s6+s3], $0x4000, $0x38;
	[tilespmem:$0x1F780] =	vst v63  }
0x20: {  	s26 =	stileid.u32;
	_ =	swait.ge [sflag:s15], $0x4000  }
0x21: {  	s0 =	sshll.u32 s26, $0x6;
	[sflag:s15] =	ssyncset.done $0x0  }
0x22: {  	s1 =	sor.u32 $0x1C03, s0;
	s0 =	sshrl.u32 s7, $0x3;
	[sflag:s15] =	ssyncadd.s32 $0xFFFFC000  }
0x23: {  	[tilespmem:s19], [sflag:$0x2] =	stream.indirect.gather [hbm4b:s4+s16], $0x80, s16, s16, $0xb8;
	[tilespmem:$0x1F780] =	vst v63  }
0x24: {  	[spmem:s0], [sflag:s1] =	dma.local [hbm:s8], $0x2800  }
0x25: {  	_ =	swait.ge [sflag:s15], $0x2800  }
0x26: {  	[sflag:s15] =	ssyncset.done $0x0  }
0x27: {  	[sflag:s15] =	ssyncadd.s32 $0xFFFFD800  }
0x28: {  	[bflag:$0x0] =	sbarrier.arrive $0xFFFF  }
0x29: {  	_ =	swait.ge [sflag:s20], $0x2800  }
0x2a: {  	[sflag:s20] =	ssyncset.done $0x0  }
0x2b: {  	s18 =	simm.s32 $0x2780;
	[sflag:s20] =	ssyncadd.s32 $0xFFFFD800  }
0x2c: {  	[spmem:s2] =	stream.indirect.scatter.add.f32 [tilespmem:s17], [sflag:$0x3], $0x80, s18, s16, $0xb8;
	[tilespmem:$0x1F780] =	vst v63  }
0x2d: {  	_ =	swait.ge [sflag:s15], $0x2800  }
0x2e: {  	[sflag:s15] =	ssyncset.done $0x0  }
0x2f: {  	s29 =	simm.s32 $0xA0;
	[sflag:s15] =	ssyncadd.s32 $0xFFFFD800  }
0x30: {  	[tilespmem:s17], [sflag:$0x1] =	stream.indirect.gather [hbm4b:s4+s16], $0x80, s29, s16, $0xb8;
	[tilespmem:$0x1F780] =	vst v63  }
0x31: {  	_ =	swait.ge [sflag:s21], $0x2800  }
0x32: {  	[sflag:s21] =	ssyncset.done $0x0  }
0x33: {  	s30 =	simm.s32 $0x2800;
	[sflag:s21] =	ssyncadd.s32 $0xFFFFD800  }
0x34: {  	[spmem:s2] =	stream.indirect.scatter.add.f32 [tilespmem:s19], [sflag:$0x3], $0x80, s30, s16, $0xb8;
	[tilespmem:$0x1F780] =	vst v63  }
0x35: {  	_ =	swait.ge [sflag:s15], $0x2800  }
0x36: {  	s28 =	simm.s32 $0x190;
	[sflag:s15] =	ssyncset.done $0x0  }
0x37: {  	s26 =	simm.s32 $0x400;
	s18 =	simm.s32 $0xF0;
	[sflag:s15] =	ssyncadd.s32 $0xFFFFD800  }
.LBB2_2:
0x38: {  	[tilespmem:s19], [sflag:$0x2] =	stream.indirect.gather [hbm4b:s4+s16], $0x80, s18, s16, $0xb8;
	[tilespmem:$0x1F780] =	vst v63  }
0x39: {  	s29 =	smov.u32 s26;
	s18 =	smov.u32 s28  }
0x3a: {  	p0 =	sne.s32 s26, $0xF000;
	s26 =	sadd.s32 $0x400, s26;
	_ =	swait.ge [sflag:s20], $0x2800  }
0x3b: {  	s29 =	sshra.s32 s29, $0x2;
	[sflag:s20] =	ssyncset.done $0x0  }
0x3c: {  	s30 =	sadd.s32 $0x2780, s29;
	[sflag:s20] =	ssyncadd.s32 $0xFFFFD800  }
0x3d: {  	[spmem:s2] =	stream.indirect.scatter.add.f32 [tilespmem:s17], [sflag:$0x3], $0x80, s30, s16, $0xb8;
	[tilespmem:$0x1F780] =	vst v63  }
0x3e: {  	_ =	swait.ge [sflag:s15], $0x2800  }
0x3f: {  	[sflag:s15] =	ssyncset.done $0x0  }
0x40: {  	s30 =	sadd.s32 $0xFFFFFFB0, s28;
	[sflag:s15] =	ssyncadd.s32 $0xFFFFD800  }
0x41: {  	[tilespmem:s17], [sflag:$0x1] =	stream.indirect.gather [hbm4b:s4+s16], $0x80, s30, s16, $0xb8;
	[tilespmem:$0x1F780] =	vst v63  }
0x42: {  	_ =	swait.ge [sflag:s21], $0x2800  }
0x43: {  	[sflag:s21] =	ssyncset.done $0x0  }
.Ltmp0:
0x44: {  	s29 =	sadd.s32 $0x2800, s29;
	[sflag:s21] =	ssyncadd.s32 $0xFFFFD800;
	(pc) =	sbr.rel @p0 .LBB2_2-.Ltmp0, $4  }
0x45: {  	[spmem:s2] =	stream.indirect.scatter.add.f32 [tilespmem:s19], [sflag:$0x3], $0x80, s29, s16, $0xb8;
	[tilespmem:$0x1F780] =	vst v63  }
0x46: {  	_ =	swait.ge [sflag:s15], $0x2800  }
0x47: {  	[sflag:s15] =	ssyncset.done $0x0  }
0x48: {  	s28 =	sadd.s32 $0xA0, s28;
	[sflag:s15] =	ssyncadd.s32 $0xFFFFD800  }
0x49: {  	[tilespmem:s19], [sflag:$0x2] =	stream.indirect.gather [hbm4b:s4+s16], $0x80, s18, s16, $0xb8;
	[tilespmem:$0x1F780] =	vst v63  }
0x4a: {  	_ =	swait.ge [sflag:s20], $0x2800  }
0x4b: {  	[sflag:s20] =	ssyncset.done $0x0  }
0x4c: {  	s26 =	simm.s32 $0x6480;
	[sflag:s20] =	ssyncadd.s32 $0xFFFFD800  }
0x4d: {  	[spmem:s2] =	stream.indirect.scatter.add.f32 [tilespmem:s17], [sflag:$0x3], $0x80, s26, s16, $0xb8;
	[tilespmem:$0x1F780] =	vst v63  }
0x4e: {  	_ =	swait.ge [sflag:s15], $0x2800  }
0x4f: {  	[sflag:s15] =	ssyncset.done $0x0  }
0x50: {  	s28 =	simm.s32 $0x26C0;
	[sflag:s15] =	ssyncadd.s32 $0xFFFFD800  }
0x51: {  	[tilespmem:s17], [sflag:$0x1] =	stream.indirect.gather [hbm4b:s4+s16], $0x80, s28, s16, $0xb8;
	[tilespmem:$0x1F780] =	vst v63  }
0x52: {  	_ =	swait.ge [sflag:s21], $0x2800  }
0x53: {  	[sflag:s21] =	ssyncset.done $0x0  }
0x54: {  	s29 =	simm.s32 $0x6500;
	[sflag:s21] =	ssyncadd.s32 $0xFFFFD800  }
0x55: {  	[spmem:s2] =	stream.indirect.scatter.add.f32 [tilespmem:s19], [sflag:$0x3], $0x80, s29, s16, $0xb8;
	[tilespmem:$0x1F780] =	vst v63  }
0x56: {  	_ =	swait.ge [sflag:s15], $0x2800  }
0x57: {  	[sflag:s15] =	ssyncset.done $0x0  }
0x58: {  	[sflag:s15] =	ssyncadd.s32 $0xFFFFD800  }
0x59: {  	_ =	swait.ge [sflag:s20], $0x2800  }
0x5a: {  	[sflag:s20] =	ssyncset.done $0x0  }
0x5b: {  	s30 =	simm.s32 $0x6580;
	[sflag:s20] =	ssyncadd.s32 $0xFFFFD800  }
0x5c: {  	[spmem:s2] =	stream.indirect.scatter.add.f32 [tilespmem:s17], [sflag:$0x3], $0x80, s30, s16, $0xb8;
	[tilespmem:$0x1F780] =	vst v63  }
0x5d: {  	_ =	swait.ge [sflag:s15], $0x2800  }
0x5e: {  	[sflag:s15] =	ssyncset.done $0x0  }
0x5f: {  	[sflag:s15] =	ssyncadd.s32 $0xFFFFD800  }
0x60: {  	[bflag:$0x0] =	sbarrier.arrive $0xFFFF  }
0x61: {  	[hbm:s9], [sflag:s1] =	dma.local [spmem:s0], $0x800  }
0x62: {  	_ =	swait.ge [sflag:s15], $0x800  }
0x63: {  	[sflag:s15] =	ssyncset.done $0x0  }
0x64: {  	[sflag:s15] =	ssyncadd.s32 $0xFFFFF800  }
0x65: {  	[hbm:s11], [sflag:s1] =	dma.local [spmem:s22], $0x800  }
0x66: {  	_ =	swait.ge [sflag:s15], $0x800  }
0x67: {  	[sflag:s15] =	ssyncset.done $0x0  }
0x68: {  	[sflag:s15] =	ssyncadd.s32 $0xFFFFF800  }
0x69: {  	[hbm:s12], [sflag:s1] =	dma.local [spmem:s23], $0x800  }
0x6a: {  	_ =	swait.ge [sflag:s15], $0x800  }
0x6b: {  	[sflag:s15] =	ssyncset.done $0x0  }
0x6c: {  	[sflag:s15] =	ssyncadd.s32 $0xFFFFF800  }
0x6d: {  	[hbm:s13], [sflag:s1] =	dma.local [spmem:s24], $0x800  }
0x6e: {  	s31 =	sadd.s32 $0x1, s31;
	_ =	swait.ge [sflag:s15], $0x800  }
0x6f: {  	p0 =	sne.s32 s31, s10;
	[sflag:s15] =	ssyncset.done $0x0  }
.Ltmp1:
0x70: {  	[sflag:s15] =	ssyncadd.s32 $0xFFFFF800;
	(pc) =	sbr.rel @p0 .LBB2_1-.Ltmp1, $4  }
0x71: {  	[hbm:s14], [sflag:s1] =	dma.local [spmem:s25], $0x800  }
0x72: {  	_ =	swait.ge [sflag:s15], $0x800  }
0x73: {  	[sflag:s15] =	ssyncset.done $0x0  }
0x74: {  	[sflag:s15] =	ssyncadd.s32 $0xFFFFF800  }
0x75: {  	_ =	sfence.sel $0x180000  }
0x76: {  	[bflag:$0x0] =	sbarrier.arrive $0xFFFF  }
0x77: {  	_ =	strace $0x9000004A  }
0x78: {  	s0 =	stileid.u32;
	[bflag:$0x2] =	sbarrier.arrive $0xFFFF  }
0x79: {  	p0 =	sne.s32 s0, $0x0;
	s0 =	rddreg [dreg:$0x3]  }
0x7a: {  	s0 =	sadd.s32 @!p0 $0x100000, s0  }
0x7b: {  	[sflag:s0] =	ssyncadd.tile.s32 @!p0 $0x1;
	_ =	shalt  }
.Lfunc_end2:
_tile_overlayer_lowered:
.L_overlay_start_2:
0x7c: {  	(tag) =	ssettag $0x2  }
0x7d: {  	s0 =	rddreg [dreg:$0x0];
	s2 =	stileid.u32  }
0x7e: {  	s1 =	rddreg [dreg:$0x1];
	p0 =	sne.s32 s2, $0x0  }
0x7f: {  	s3 =	rddreg [dreg:$0x2];
	[bflag:$0x3] =	sbarrier.arrive $0xFFFF;
	s2 =	simm.s32 @!p0 $0x1C03  }
0x80: {  	[timem:s3], [sflag:s2] =	dma.local @!p0 [hbm:s0], s1  }
0x81: {  	s0 =	simm.s32 @!p0 $0x3  }
0x82: {  	_ =	swait.ge @!p0 [sflag:s0], s1  }
0x83: {  	s1 =	ssub.s32 @!p0 $0x0, s1;
	[sflag:s0] =	ssyncset.done @!p0 $0x0  }
0x84: {  	[sflag:s0] =	ssyncadd.s32 @!p0 s1  }
0x85: {  	[bflag:$0x3] =	sbarrier.arrive $0xFFFF  }
0x86: {  	_ =	shalt  }

// kernel: kernel.8.cloned.1.call-start
scs
__scs_entry_jumppad:
0x0: {  	(pc) =	sbr.rel $0x88, $3  }
0x1: {  	(tag) =	ssettag $0x0;
	lr =	simm.s32 $0x1  }
0x2: {  	[smem:$0x3F98] =	sst lr;
	_ =	strace $0xD0000000  }
0x3: {  	_ = 	snop  }
0x4: {  	_ = 	snop  }
0x5: {  	_ = 	snop  }
0x6: {  	_ = 	snop  }
0x7: {  	_ = 	snop  }
__scs_overlays_trampoline_lowered:
0x8: {  	[smem:$0x3FA7] =	sst s0  }
0x9: {  	[smem:$0x3FA8] =	sst s1  }
0xa: {  	[smem:$0x3FA9] =	sst s2  }
0xb: {  	[smem:$0x3FAA] =	sst s3  }
0xc: {  	[smem:$0x3FAB] =	sst s4  }
0xd: {  	[smem:$0x3FAC] =	sst s5  }
0xe: {  	[smem:$0x3FAD] =	sst s6  }
0xf: {  	[smem:$0x3FAE] =	sst s7  }
0x10: {  	[smem:$0x3FAF] =	sst s8  }
0x11: {  	[smem:$0x3FB0] =	sst s9;
	s0 =	simm.s32 @!p0 $0x0  }
0x12: {  	s1 =	sld [smem:$0x3F96];
	s0 =	simm.s32 @p0 $0x1  }
0x13: {  	[smem:$0x3FB1] =	sst s0;
	s0 =	simm.s32 @!p1 $0x0  }
0x14: {  	s2 =	sld [smem:$0x3F95];
	s0 =	simm.s32 @p1 $0x1  }
0x15: {  	[smem:$0x3FB2] =	sst s0;
	s0 =	simm.s32 @!p2 $0x0  }
0x16: {  	s3 =	sld [smem:$0x3FDB];
	s0 =	simm.s32 @p2 $0x1  }
0x17: {  	s4 =	simm.s32 $0x1BF5;
	[smem:$0x3FB4] =	sst s0  }
0x18: {  	s0 =	sld [smem:$0x3F97];
	_ =	swait.ge [sflag:s4], $0x0  }
0x19: {  	s7 =	sld [smem:$0x3F98]  }
0x1a: {  	s8 =	sadd.s32 $0xFFFFE003, lr  }
0x1b: {  	s9 =	sadd.s32 $0xFFFFFEF7, lr;
	s5 =	simm.s32 $0xFFFFFFFF;
	p2 =	slt.u32 s8, $0xFFFFF086  }
0x1c: {  	p1 =	slt.u32 s9, $0xF7A;
	s5 =	simm.s32 @!p2 $0x0  }
0x1d: {  	s5 =	simm.s32 @p1 $0x1;
	p0 =	seq.s32 s7, s2  }
0x1e: {  	s7 =	smul.u32 @!p0 $0xF7A, s2;
	p2 =	seq.s32 @!p0 s5, $0x0  }
0x1f: {  	s9 =	smul.u32 $0xF7A, s1;
	s8 =	simm.s32 @!p0 $0x1BF5;
	p2 =	por !p2, p0  }
0x20: {  	[sflag:s8] =	ssyncset.s32 @!p0 $0xFFFFF086;
	s6 =	sadd.s32 @!p0 s3, s7;
	s7 =	simm.s32 @!p0 $0x108  }
0x21: {  	s3 =	sadd.s32 s3, s9;
	s6 =	sadd.s32 @!p0 $0x88, s6;
	s7 =	simm.s32 @p2 $0x1082  }
0x22: {  	[simem:s7], [sflag:s8] =	dma.local @!p0 [hbm:s6], $0xF7A  }
0x23: {  	s9 =	sor.u32 $0xD0000000, s2;
	s6 =	simm.s32 $0x108;
	_ =	swait.ge @!p0 [sflag:s8], $0x0  }
0x24: {  	s3 =	sadd.s32 $0x88, s3;
	s6 =	simm.s32 @!p1 $0x1082;
	[sflag:s4] =	ssyncset.s32 $0xFFFFF086  }
0x25: {  	[simem:s6], [sflag:s4] =	dma.local [hbm:s3], $0xF7A  }
0x26: {  	[smem:$0x3F98] =	sst s1;
	(tag) =	ssettag s2;
	_ =	strace s9  }
0x27: {  	s1 =	sld [smem:$0x3FA8]  }
0x28: {  	s2 =	sld [smem:$0x3FA9]  }
0x29: {  	s4 =	sld [smem:$0x3FAB]  }
0x2a: {  	p0 =	seq.s32 s5, $0x0;
	s5 =	sld [smem:$0x3FAC]  }
0x2b: {  	s6 =	sld [smem:$0x3FAD]  }
0x2c: {  	s7 =	sld [smem:$0x3FAE]  }
0x2d: {  	s3 =	simm.s32 $0x108;
	s8 =	sld [smem:$0x3FAF]  }
0x2e: {  	s3 =	simm.s32 @!p0 $0x1082;
	s9 =	sld [smem:$0x3FB0]  }
0x2f: {  	lr =	sadd.s32 s0, s3;
	s0 =	sld [smem:$0x3FA7]  }
0x30: {  	s3 =	sld [smem:$0x3FAA]  }
0x31: {  	[smem:$0x3FB3] =	sst s10  }
0x32: {  	s10 =	sld [smem:$0x3FB1];
	_ =	sdelay $0x3  }
0x33: {  	p0 =	seq.s32 s10, $0x1;
	s10 =	sld [smem:$0x3FB3];
	_ =	sdelay $0x3  }
0x34: {  	[smem:$0x3FB3] =	sst s10  }
0x35: {  	s10 =	sld [smem:$0x3FB2];
	_ =	sdelay $0x3  }
0x36: {  	p1 =	seq.s32 s10, $0x1;
	s10 =	sld [smem:$0x3FB3];
	_ =	sdelay $0x3  }
0x37: {  	[smem:$0x3FB3] =	sst s10  }
0x38: {  	s10 =	sld [smem:$0x3FB4]  }
0x39: {  	_ = 	snop;
	(pc) =	sbr.ind lr, $3  }
0x3a: {  	_ = 	snop  }
0x3b: {  	_ = 	snop  }
0x3c: {  	p2 =	seq.s32 s10, $0x1;
	s10 =	sld [smem:$0x3FB3]  }
0x3d: {  	_ =	shalt  }
0x3e: {  	_ =	shalt  }
0x3f: {  	_ =	shalt  }
0x40: {  	_ =	shalt  }
0x41: {  	_ =	shalt  }
0x42: {  	_ =	shalt  }
0x43: {  	_ =	shalt  }
0x44: {  	_ =	shalt  }
0x45: {  	_ =	shalt  }
0x46: {  	_ =	shalt  }
0x47: {  	_ =	shalt  }
0x48: {  	_ =	shalt  }
0x49: {  	_ =	shalt  }
0x4a: {  	_ =	shalt  }
0x4b: {  	_ =	shalt  }
0x4c: {  	_ =	shalt  }
0x4d: {  	_ =	shalt  }
0x4e: {  	_ =	shalt  }
0x4f: {  	_ =	shalt  }
0x50: {  	_ =	shalt  }
0x51: {  	_ =	shalt  }
0x52: {  	_ =	shalt  }
0x53: {  	_ =	shalt  }
0x54: {  	_ =	shalt  }
0x55: {  	_ =	shalt  }
0x56: {  	_ =	shalt  }
0x57: {  	_ =	shalt  }
0x58: {  	_ =	shalt  }
0x59: {  	_ =	shalt  }
0x5a: {  	_ =	shalt  }
0x5b: {  	_ =	shalt  }
0x5c: {  	_ =	shalt  }
0x5d: {  	_ =	shalt  }
0x5e: {  	_ =	shalt  }
0x5f: {  	_ =	shalt  }
0x60: {  	_ =	shalt  }
0x61: {  	_ =	shalt  }
0x62: {  	_ =	shalt  }
0x63: {  	_ =	shalt  }
0x64: {  	_ =	shalt  }
0x65: {  	_ =	shalt  }
0x66: {  	_ =	shalt  }
0x67: {  	_ =	shalt  }
0x68: {  	_ =	shalt  }
0x69: {  	_ =	shalt  }
0x6a: {  	_ =	shalt  }
0x6b: {  	_ =	shalt  }
0x6c: {  	_ =	shalt  }
0x6d: {  	_ =	shalt  }
0x6e: {  	_ =	shalt  }
0x6f: {  	_ =	shalt  }
0x70: {  	_ =	shalt  }
0x71: {  	_ =	shalt  }
0x72: {  	_ =	shalt  }
0x73: {  	_ =	shalt  }
0x74: {  	_ =	shalt  }
0x75: {  	_ =	shalt  }
0x76: {  	_ =	shalt  }
0x77: {  	_ =	shalt  }
0x78: {  	_ =	shalt  }
0x79: {  	_ =	shalt  }
0x7a: {  	_ =	shalt  }
0x7b: {  	_ =	shalt  }
0x7c: {  	_ =	shalt  }
0x7d: {  	_ =	shalt  }
0x7e: {  	_ =	shalt  }
0x7f: {  	_ =	shalt  }
0x80: {  	_ =	shalt  }
0x81: {  	_ =	shalt  }
0x82: {  	_ =	shalt  }
0x83: {  	_ =	shalt  }
0x84: {  	_ =	shalt  }
0x85: {  	_ =	shalt  }
0x86: {  	_ =	shalt  }
0x87: {  	_ =	shalt  }
.Lfunc_end0:
.L_simem_size_0:
called_computation_lowered:
.L_overlay_start_0:
0x88: {  	s2 =	sld [smem:$0x3FD9]  }
0x89: {  	s3 =	sld [smem:$0x3FFE];
	_ =	sdelay $0x1  }
0x8a: {  	s1 =	srdreg.scid  }
0x8b: {  	s0 =	sand.u32 $0x1, s1  }
0x8c: {  	s17 =	sshll.u32 s0, $0xA;
	s2 =	sadd.s32 s3, s2  }
0x8d: {  	s2 =	sadd.s32 s2, s17  }
0x8e: {  	[smem:$0x3FBF] =	sst s2  }
0x8f: {  	_ = 	snop  }
0x90: {  	s2 =	sld [smem:$0x3FD0];
	(tm) =	ssettm $0x1  }
0x91: {  	s18 =	sld [smem:$0x3FFB];
	_ =	sdelay $0x3  }
0x92: {  	_ =	strace s18  }
0x93: {  	s3 =	sld [smem:$0x3FFC];
	_ =	sdelay $0x3  }
0x94: {  	_ =	strace s3  }
0x95: {  	s3 =	sld [smem:$0x3FFD];
	_ =	sdelay $0x3  }
0x96: {  	_ =	strace s3  }
0x97: {  	_ =	strace $0x8FFFFFFF  }
0x98: {  	s19 =	sld [smem:$0x3FDB];
	_ =	sdelay $0x1  }
0x99: {  	s4 =	simm.s32 $_scs_section_size  }
0x9a: {  	s5 =	simm.s32 $_size__tile_overlayer_lowered;
	s6 =	simm.s32 $_tile_overlayer_lowered  }
0x9b: {  	s22 =	simm.s32 $0x1BFF;
	s21 =	sshll.u32 s6, $0x1;
	s3 =	sadd.s32 s4, s19  }
0x9c: {  	s7 =	simm.s32 $0x0;
	s20 =	sshll.u32 s5, $0x1;
	s5 =	sadd.s32 s21, s3  }
0x9d: {  	[timem:s7], [sflag:s22] =	dma.local [hbm:s5], s20  }
0x9e: {  	_ =	swait.ge [sflag:s22], s20  }
0x9f: {  	s4 =	ssub.s32 $0x0, s20;
	[sflag:s22] =	ssyncset.done $0x0  }
0xa0: {  	[sflag:s22] =	ssyncadd.s32 s4;
	_ =	sdelay $0x1  }
0xa1: {  	s23 =	simm.s32 $0x1B8B  }
0xa2: {  	_ =	swait.ge [sflag:s23], $0x1  }
0xa3: {  	[sflag:s23] =	ssyncset.done $0x0  }
0xa4: {  	s25 =	simm.s32 $0x1B8E;
	s24 =	sld [smem:$0x3FFE];
	[sflag:s23] =	ssyncadd.s32 $0xFFFFFFFF  }
0xa5: {  	s26 =	simm.s32 $execute0_lowered;
	[smem:$0x3FD2] =	sst s25  }
0xa6: {  	s5 =	sshll.u32 s26, $0x1;
	_ =	strace $0x80000046;
	[dreg:$0x1] =	wrdreg $0xFFFFFFFF  }
0xa7: {  	s28 =	simm.s32 $_size_execute0_lowered;
	s3 =	sadd.s32 s3, s5;
	[dreg:$0x0] =	wrdreg $0x0  }
0xa8: {  	s5 =	sshll.u32 s28, $0x1;
	[dreg:$0x2] =	wrdreg s3  }
0xa9: {  	[dreg:$0x3] =	wrdreg s5  }
0xaa: {  	[dreg:$0x4] =	wrdreg $0xC0  }
0xab: {  	_ =	task [dreg:s7], $0x5FFFF  }
0xac: {  	[dreg:$0x1] =	wrdreg $0xFFFFFFFF  }
0xad: {  	[dreg:$0x0] =	wrdreg $0x60  }
0xae: {  	[dreg:$0x2] =	wrdreg s24  }
0xaf: {  	[dreg:$0x3] =	wrdreg s2  }
0xb0: {  	[dreg:$0x4] =	wrdreg $0xB7800  }
0xb1: {  	[dreg:$0x5] =	wrdreg $0x9  }
0xb2: {  	_ =	task.clear_ibuf [dreg:s7], $0x6FFFF;
	_ =	strace $0x90000046  }
0xb3: {  	s29 =	simm.s32 $0x9;
	_ =	strace $0x80000048  }
0xb4: {  	_ =	swait.ge [sflag:s29], $0x1  }
0xb5: {  	[sflag:s29] =	ssyncadd.s32 $0xFFFFFFFF  }
0xb6: {  	_ =	strace $0x90000048  }
0xb7: {  	_ =	sfence  }
0xb8: {  	s30 =	sld [smem:$0x0];
	_ =	sdelay $0x2  }
0xb9: {  	s31 =	sshll.u32 s1, $0xD;
	s1 =	sshrl.u32 s1, $0x2  }
0xba: {  	s3 =	sand.u32 $0x4000, s31;
	s1 =	sadd.s32 s1, s30  }
0xbb: {  	s0 =	sor.u32 s3, s0;
	s1 =	sshll.u32 s1, $0x11  }
0xbc: {  	s0 =	sor.u32 s1, s0  }
0xbd: {  	s0 =	sadd.s32 $0x8F2B, s0  }
0xbe: {  	[sflag:s0] =	ssyncadd.remote.s32 $0x1  }
0xbf: {  	_ =	sfence.sel $0xFFFF  }
0xc0: {  	[dreg:$0x0] =	wrdreg $0xFFFFFFFF;
	(pc) =	sbr.abs _section_cstart, $3  }
0xc1: {  	[dreg:$0x1] =	wrdreg $0xFFFFFFFF  }
0xc2: {  	_ =	task.clear_ibuf [dreg:s7], $0x2FFFF;
	_ =	strace $0x9FFFFFFF  }
0xc3: {  	(tm) =	ssettm $0x7FFFFFFF  }
tec
execute0_lowered:
.L_overlay_start_1:
0x0: {  	(tag) =	ssettag $0x1  }
0x1: {  	s0 =	rddreg [dreg:$0x0]  }
0x2: {  	s1 =	rddreg [dreg:$0x1];
	s3 =	srdreg.scid  }
0x3: {  	s10 =	stileid.u32;
	s2 =	rddreg [dreg:$0x2]  }
0x4: {  	s19 =	simm.s32 $0x8F80;
	s31 =	simm.s32 $0x0;
	s8 =	smul.u32 $0x2800, s10  }
0x5: {  	s5 =	sand.u32 $0x1, s3;
	s4 =	sshll.u32 s10, $0x1;
	s13 =	smul.u32 $0x280, s10  }
0x6: {  	s3 =	simm.s32 $0x0;
	s10 =	smul.u32 $0x50000, s10;
	s6 =	sor.u32 s5, s4  }
0x7: {  	[smem:$0x7FF] =	sst s3;
	s4 =	sadd.s32 $0xBA00, s0;
	s14 =	smul.u32 $0x2800, s5  }
0x8: {  	s9 =	ssub.s32 $0x2, s5;
	s7 =	smul.u32 $0x4E2, s6;
	_ =	strace $0x80000047  }
0x9: {  	s8 =	sadd.s32 s8, s0;
	s11 =	sshrl.u32 s9, $0x1;
	s6 =	sshll.u32 s6, $0xB  }
0xa: {  	s20 =	sshrl.u32 s10, $0x2;
	s23 =	sadd.s32 $0x80, s13;
	s12 =	sadd.s32 $0x100, s13  }
0xb: {  	s28 =	sadd.s32 $0x180, s13;
	s17 =	sadd.s32 $0x200, s13;
	s11 =	ssub.s32 s9, s11  }
0xc: {  	s6 =	sadd.s32 s1, s6;
	s21 =	sadd.s32 s14, s13;
	s8 =	sadd.s32 $0xABA00, s8  }
0xd: {  	s24 =	sshll.u32 s23, $0x7;
	s1 =	sadd.s32 s14, s23;
	s15 =	sadd.s32 s14, s12  }
0xe: {  	s25 =	sshll.u32 s12, $0x7;
	s16 =	sshll.u32 s28, $0x7;
	s30 =	sshll.u32 s17, $0x7  }
0xf: {  	s7 =	sadd.s32 s7, s0;
	s0 =	sadd.s32 $0xD3A00, s0;
	s22 =	sshll.u32 s21, $0x4  }
0x10: {  	s10 =	smax.u32 s11, $0x1;
	s18 =	sadd.s32 s24, s2;
	s1 =	sshll.u32 s1, $0x4  }
0x11: {  	s26 =	sshll.u32 s15, $0x4;
	s15 =	sadd.s32 s14, s28;
	s24 =	sadd.s32 s16, s2  }
0x12: {  	s14 =	sadd.s32 s14, s17;
	s16 =	simm.s32 $0x50;
	s17 =	simm.s32 $0x6780  }
0x13: {  	s21 =	simm.s32 $0x2;
	s5 =	sadd.s32 $0x1C00, s7;
	s7 =	sadd.s32 s20, s2  }
0x14: {  	s9 =	sadd.s32 s0, s22;
	s11 =	sadd.s32 s0, s1;
	s1 =	sadd.s32 s25, s2  }
0x15: {  	s12 =	sadd.s32 s0, s26;
	s29 =	sshll.u32 s15, $0x4;
	s14 =	sshll.u32 s14, $0x4  }
0x16: {  	s25 =	sadd.s32 s30, s2;
	s15 =	simm.s32 $0x3;
	s20 =	simm.s32 $0x1  }
0x17: {  	s22 =	sshrl.u32 s18, $0x3;
	s24 =	sshrl.u32 s24, $0x3;
	s13 =	sadd.s32 s0, s29  }
0x18: {  	s14 =	sadd.s32 s0, s14;
	s23 =	sshrl.u32 s1, $0x3;
	s25 =	sshrl.u32 s25, $0x3  }
.LBB2_1:
0x19: {  	[tilespmem:s3], [sflag:$0x3] =	stream.linear.gather [hbm4b:s5+s3], $0x2710, $0x38;
	[tilespmem:$0x1F780] =	vst v63  }
0x1a: {  	_ =	swait.ge [sflag:s15], $0x2710  }
0x1b: {  	[sflag:s15] =	ssyncset.done $0x0  }
0x1c: {  	[sflag:s15] =	ssyncadd.s32 $0xFFFFD8F0  }
0x1d: {  	[tilespmem:s17], [sflag:$0x1] =	stream.indirect.gather [hbm4b:s4+s16], $0x80, s3, s16, $0xb8;
	[tilespmem:$0x1F780] =	vst v63  }
0x1e: {  	s0 =	simm.s32 $0x2780  }
0x1f: {  	[tilespmem:s0], [sflag:$0x3] =	stream.linear.gather [hbm4b:s6+s3], $0x4000, $0x38;
	[tilespmem:$0x1F780] =	vst v63  }
0x20: {  	s26 =	stileid.u32;
	_ =	swait.ge [sflag:s15], $0x4000  }
0x21: {  	s0 =	sshll.u32 s26, $0x6;
	[sflag:s15] =	ssyncset.done $0x0  }
0x22: {  	s1 =	sor.u32 $0x1C03, s0;
	s0 =	sshrl.u32 s7, $0x3;
	[sflag:s15] =	ssyncadd.s32 $0xFFFFC000  }
0x23: {  	[tilespmem:s19], [sflag:$0x2] =	stream.indirect.gather [hbm4b:s4+s16], $0x80, s16, s16, $0xb8;
	[tilespmem:$0x1F780] =	vst v63  }
0x24: {  	[spmem:s0], [sflag:s1] =	dma.local [hbm:s8], $0x2800  }
0x25: {  	_ =	swait.ge [sflag:s15], $0x2800  }
0x26: {  	[sflag:s15] =	ssyncset.done $0x0  }
0x27: {  	[sflag:s15] =	ssyncadd.s32 $0xFFFFD800  }
0x28: {  	[bflag:$0x0] =	sbarrier.arrive $0xFFFF  }
0x29: {  	_ =	swait.ge [sflag:s20], $0x2800  }
0x2a: {  	[sflag:s20] =	ssyncset.done $0x0  }
0x2b: {  	s18 =	simm.s32 $0x2780;
	[sflag:s20] =	ssyncadd.s32 $0xFFFFD800  }
0x2c: {  	[spmem:s2] =	stream.indirect.scatter.add.f32 [tilespmem:s17], [sflag:$0x3], $0x80, s18, s16, $0xb8;
	[tilespmem:$0x1F780] =	vst v63  }
0x2d: {  	_ =	swait.ge [sflag:s15], $0x2800  }
0x2e: {  	[sflag:s15] =	ssyncset.done $0x0  }
0x2f: {  	s29 =	simm.s32 $0xA0;
	[sflag:s15] =	ssyncadd.s32 $0xFFFFD800  }
0x30: {  	[tilespmem:s17], [sflag:$0x1] =	stream.indirect.gather [hbm4b:s4+s16], $0x80, s29, s16, $0xb8;
	[tilespmem:$0x1F780] =	vst v63  }
0x31: {  	_ =	swait.ge [sflag:s21], $0x2800  }
0x32: {  	[sflag:s21] =	ssyncset.done $0x0  }
0x33: {  	s30 =	simm.s32 $0x2800;
	[sflag:s21] =	ssyncadd.s32 $0xFFFFD800  }
0x34: {  	[spmem:s2] =	stream.indirect.scatter.add.f32 [tilespmem:s19], [sflag:$0x3], $0x80, s30, s16, $0xb8;
	[tilespmem:$0x1F780] =	vst v63  }
0x35: {  	_ =	swait.ge [sflag:s15], $0x2800  }
0x36: {  	s28 =	simm.s32 $0x190;
	[sflag:s15] =	ssyncset.done $0x0  }
0x37: {  	s26 =	simm.s32 $0x400;
	s18 =	simm.s32 $0xF0;
	[sflag:s15] =	ssyncadd.s32 $0xFFFFD800  }
.LBB2_2:
0x38: {  	[tilespmem:s19], [sflag:$0x2] =	stream.indirect.gather [hbm4b:s4+s16], $0x80, s18, s16, $0xb8;
	[tilespmem:$0x1F780] =	vst v63  }
0x39: {  	s29 =	smov.u32 s26;
	s18 =	smov.u32 s28  }
0x3a: {  	p0 =	sne.s32 s26, $0xF000;
	s26 =	sadd.s32 $0x400, s26;
	_ =	swait.ge [sflag:s20], $0x2800  }
0x3b: {  	s29 =	sshra.s32 s29, $0x2;
	[sflag:s20] =	ssyncset.done $0x0  }
0x3c: {  	s30 =	sadd.s32 $0x2780, s29;
	[sflag:s20] =	ssyncadd.s32 $0xFFFFD800  }
0x3d: {  	[spmem:s2] =	stream.indirect.scatter.add.f32 [tilespmem:s17], [sflag:$0x3], $0x80, s30, s16, $0xb8;
	[tilespmem:$0x1F780] =	vst v63  }
0x3e: {  	_ =	swait.ge [sflag:s15], $0x2800  }
0x3f: {  	[sflag:s15] =	ssyncset.done $0x0  }
0x40: {  	s30 =	sadd.s32 $0xFFFFFFB0, s28;
	[sflag:s15] =	ssyncadd.s32 $0xFFFFD800  }
0x41: {  	[tilespmem:s17], [sflag:$0x1] =	stream.indirect.gather [hbm4b:s4+s16], $0x80, s30, s16, $0xb8;
	[tilespmem:$0x1F780] =	vst v63  }
0x42: {  	_ =	swait.ge [sflag:s21], $0x2800  }
0x43: {  	[sflag:s21] =	ssyncset.done $0x0  }
.Ltmp0:
0x44: {  	s29 =	sadd.s32 $0x2800, s29;
	[sflag:s21] =	ssyncadd.s32 $0xFFFFD800;
	(pc) =	sbr.rel @p0 .LBB2_2-.Ltmp0, $4  }
0x45: {  	[spmem:s2] =	stream.indirect.scatter.add.f32 [tilespmem:s19], [sflag:$0x3], $0x80, s29, s16, $0xb8;
	[tilespmem:$0x1F780] =	vst v63  }
0x46: {  	_ =	swait.ge [sflag:s15], $0x2800  }
0x47: {  	[sflag:s15] =	ssyncset.done $0x0  }
0x48: {  	s28 =	sadd.s32 $0xA0, s28;
	[sflag:s15] =	ssyncadd.s32 $0xFFFFD800  }
0x49: {  	[tilespmem:s19], [sflag:$0x2] =	stream.indirect.gather [hbm4b:s4+s16], $0x80, s18, s16, $0xb8;
	[tilespmem:$0x1F780] =	vst v63  }
0x4a: {  	_ =	swait.ge [sflag:s20], $0x2800  }
0x4b: {  	[sflag:s20] =	ssyncset.done $0x0  }
0x4c: {  	s26 =	simm.s32 $0x6480;
	[sflag:s20] =	ssyncadd.s32 $0xFFFFD800  }
0x4d: {  	[spmem:s2] =	stream.indirect.scatter.add.f32 [tilespmem:s17], [sflag:$0x3], $0x80, s26, s16, $0xb8;
	[tilespmem:$0x1F780] =	vst v63  }
0x4e: {  	_ =	swait.ge [sflag:s15], $0x2800  }
0x4f: {  	[sflag:s15] =	ssyncset.done $0x0  }
0x50: {  	s28 =	simm.s32 $0x26C0;
	[sflag:s15] =	ssyncadd.s32 $0xFFFFD800  }
0x51: {  	[tilespmem:s17], [sflag:$0x1] =	stream.indirect.gather [hbm4b:s4+s16], $0x80, s28, s16, $0xb8;
	[tilespmem:$0x1F780] =	vst v63  }
0x52: {  	_ =	swait.ge [sflag:s21], $0x2800  }
0x53: {  	[sflag:s21] =	ssyncset.done $0x0  }
0x54: {  	s29 =	simm.s32 $0x6500;
	[sflag:s21] =	ssyncadd.s32 $0xFFFFD800  }
0x55: {  	[spmem:s2] =	stream.indirect.scatter.add.f32 [tilespmem:s19], [sflag:$0x3], $0x80, s29, s16, $0xb8;
	[tilespmem:$0x1F780] =	vst v63  }
0x56: {  	_ =	swait.ge [sflag:s15], $0x2800  }
0x57: {  	[sflag:s15] =	ssyncset.done $0x0  }
0x58: {  	[sflag:s15] =	ssyncadd.s32 $0xFFFFD800  }
0x59: {  	_ =	swait.ge [sflag:s20], $0x2800  }
0x5a: {  	[sflag:s20] =	ssyncset.done $0x0  }
0x5b: {  	s30 =	simm.s32 $0x6580;
	[sflag:s20] =	ssyncadd.s32 $0xFFFFD800  }
0x5c: {  	[spmem:s2] =	stream.indirect.scatter.add.f32 [tilespmem:s17], [sflag:$0x3], $0x80, s30, s16, $0xb8;
	[tilespmem:$0x1F780] =	vst v63  }
0x5d: {  	_ =	swait.ge [sflag:s15], $0x2800  }
0x5e: {  	[sflag:s15] =	ssyncset.done $0x0  }
0x5f: {  	[sflag:s15] =	ssyncadd.s32 $0xFFFFD800  }
0x60: {  	[bflag:$0x0] =	sbarrier.arrive $0xFFFF  }
0x61: {  	[hbm:s9], [sflag:s1] =	dma.local [spmem:s0], $0x800  }
0x62: {  	_ =	swait.ge [sflag:s15], $0x800  }
0x63: {  	[sflag:s15] =	ssyncset.done $0x0  }
0x64: {  	[sflag:s15] =	ssyncadd.s32 $0xFFFFF800  }
0x65: {  	[hbm:s11], [sflag:s1] =	dma.local [spmem:s22], $0x800  }
0x66: {  	_ =	swait.ge [sflag:s15], $0x800  }
0x67: {  	[sflag:s15] =	ssyncset.done $0x0  }
0x68: {  	[sflag:s15] =	ssyncadd.s32 $0xFFFFF800  }
0x69: {  	[hbm:s12], [sflag:s1] =	dma.local [spmem:s23], $0x800  }
0x6a: {  	_ =	swait.ge [sflag:s15], $0x800  }
0x6b: {  	[sflag:s15] =	ssyncset.done $0x0  }
0x6c: {  	[sflag:s15] =	ssyncadd.s32 $0xFFFFF800  }
0x6d: {  	[hbm:s13], [sflag:s1] =	dma.local [spmem:s24], $0x800  }
0x6e: {  	s31 =	sadd.s32 $0x1, s31;
	_ =	swait.ge [sflag:s15], $0x800  }
0x6f: {  	p0 =	sne.s32 s31, s10;
	[sflag:s15] =	ssyncset.done $0x0  }
.Ltmp1:
0x70: {  	[sflag:s15] =	ssyncadd.s32 $0xFFFFF800;
	(pc) =	sbr.rel @p0 .LBB2_1-.Ltmp1, $4  }
0x71: {  	[hbm:s14], [sflag:s1] =	dma.local [spmem:s25], $0x800  }
0x72: {  	_ =	swait.ge [sflag:s15], $0x800  }
0x73: {  	[sflag:s15] =	ssyncset.done $0x0  }
0x74: {  	[sflag:s15] =	ssyncadd.s32 $0xFFFFF800  }
0x75: {  	_ =	sfence.sel $0x180000  }
0x76: {  	[bflag:$0x0] =	sbarrier.arrive $0xFFFF  }
0x77: {  	_ =	strace $0x90000047  }
0x78: {  	s0 =	stileid.u32;
	[bflag:$0x2] =	sbarrier.arrive $0xFFFF  }
0x79: {  	p0 =	sne.s32 s0, $0x0;
	s0 =	rddreg [dreg:$0x3]  }
0x7a: {  	s0 =	sadd.s32 @!p0 $0x100000, s0  }
0x7b: {  	[sflag:s0] =	ssyncadd.tile.s32 @!p0 $0x1;
	_ =	shalt  }
.Lfunc_end2:
_tile_overlayer_lowered:
.L_overlay_start_2:
0x7c: {  	(tag) =	ssettag $0x2  }
0x7d: {  	s0 =	rddreg [dreg:$0x0];
	s2 =	stileid.u32  }
0x7e: {  	s1 =	rddreg [dreg:$0x1];
	p0 =	sne.s32 s2, $0x0  }
0x7f: {  	s3 =	rddreg [dreg:$0x2];
	[bflag:$0x3] =	sbarrier.arrive $0xFFFF;
	s2 =	simm.s32 @!p0 $0x1C03  }
0x80: {  	[timem:s3], [sflag:s2] =	dma.local @!p0 [hbm:s0], s1  }
0x81: {  	s0 =	simm.s32 @!p0 $0x3  }
0x82: {  	_ =	swait.ge @!p0 [sflag:s0], s1  }
0x83: {  	s1 =	ssub.s32 @!p0 $0x0, s1;
	[sflag:s0] =	ssyncset.done @!p0 $0x0  }
0x84: {  	[sflag:s0] =	ssyncadd.s32 @!p0 s1  }
0x85: {  	[bflag:$0x3] =	sbarrier.arrive $0xFFFF  }
0x86: {  	_ =	shalt  }

</sc_bundles>
